<compile_context>
chip_gen: v7x
topology: tpu7x:2x2x1
jax: 0.10.2.dev20260603
libtpu: 0.0.44.dev20260713+nightly
codegen_flags: <defaults>
</compile_context>

<pallas_src>
import jax
import jax.numpy as jnp
from jax import lax
from jax.experimental import pallas as pl
from jax.experimental.pallas import tpu as pltpu
from jax.experimental.pallas import tpu_sc as plsc

B = 16384
N = 200
N_BINS = 22
N_DIM = 4
OUT_COLS = N_BINS * N_DIM
LANES = 16
HIST_WORDS = LANES * N_BINS
NUM_CORES = 2
NUM_SUBCORES = 16
NW = NUM_CORES * NUM_SUBCORES
ROWS_PER_W = B // NW
GROUP = LANES
CHUNK = 64
GROUPS_PER_CHUNK = CHUNK // GROUP
CHUNKS = ROWS_PER_W // CHUNK
LUT_SIZE = 256


def _sc_hist_body(cos_hbm, lut2_hbm, out_hbm, in_v0, in_v1, out_v0, out_v1,
                  hist_v, lut2_v, si0, si1, so0, so1):
    wid = lax.axis_index("s") * NUM_CORES + lax.axis_index("c")
    row0 = wid * ROWS_PER_W

    pltpu.sync_copy(lut2_hbm, lut2_v)

    lanes = lax.iota(jnp.int32, LANES)
    cbin0 = lanes + (10 << 4)
    cbin1 = lanes + (11 << 4)
    lanes128 = lanes - 128
    ones = jnp.full((LANES,), 1.0, dtype=jnp.float32)
    zeros = jnp.zeros((LANES,), dtype=jnp.float32)

    in_bufs = (in_v0, in_v1)
    out_bufs = (out_v0, out_v1)
    sin = (si0, si1)
    sout = (so0, so1)

    def in_slice(cc):
        return cos_hbm.at[pl.ds(row0 + cc * CHUNK, CHUNK)]

    def out_slice(cc):
        return out_hbm.at[pl.ds(row0 + cc * CHUNK, CHUNK)]

    pltpu.async_copy(in_slice(0), in_v0, si0)
    pltpu.async_copy(in_slice(1), in_v1, si1)

    @pl.loop(0, CHUNKS, step=2)
    def _chunk_loop(c):
        for b in range(2):
            cc = c + b
            in_v = in_bufs[b]
            out_v = out_bufs[b]
            pltpu.make_async_copy(in_slice(cc), in_v, sin[b]).wait()

            @pl.when(cc >= 2)
            def _wait_out():
                pltpu.make_async_copy(out_v, out_slice(cc - 2),
                                      sout[b]).wait()

            @pl.loop(0, GROUPS_PER_CHUNK)
            def _group_loop(g):
                for i in range(HIST_WORDS // LANES):
                    hist_v[pl.ds(i * LANES, LANES)] = zeros

                grow = lanes + g * GROUP

                def bin_scatter(vals):
                    y = vals * jnp.float32(10.0)
                    t = y.astype(jnp.int32)
                    tf = t.astype(jnp.float32)
                    idx = (t << 4) + jnp.where(tf < y, cbin1, cbin0)
                    plsc.addupdate_scatter(hist_v, [idx], ones)

                @plsc.parallel_loop(0, 128 - (LANES - 1), unroll=8)
                def _val_lo(n):
                    col = (lanes + n) & 127
                    bin_scatter(plsc.load_gather(in_v, [grow, col]))

                @plsc.parallel_loop(128 - (LANES - 1), 128, unroll=5)
                def _val_mid(n):
                    col = lanes + n
                    bin_scatter(plsc.load_gather(in_v, [grow, col]))

                @plsc.parallel_loop(128, N - (LANES - 1), unroll=8)
                def _val_hi(n):
                    col = ((lanes128 + n) & 127) + 128
                    bin_scatter(plsc.load_gather(in_v, [grow, col]))

                @plsc.parallel_loop(N - (LANES - 1), N, unroll=5)
                def _val_tail(n):
                    col = lanes + n
                    col = jnp.where(col >= N, col - N, col)
                    bin_scatter(plsc.load_gather(in_v, [grow, col]))

                @plsc.parallel_loop(0, N_BINS, unroll=2)
                def _out_loop(j):
                    cnt = hist_v[pl.ds(j * LANES, LANES)]
                    ci = cnt.astype(jnp.int32)
                    for d in range(N_DIM):
                        lg = plsc.load_gather(
                            lut2_v, [ci + (j * (N_DIM * LUT_SIZE) +
                                           d * LUT_SIZE)])
                        colv = jnp.full((LANES,), 4 * j + d, dtype=jnp.int32)
                        plsc.store_scatter(out_v, [grow, colv], lg)

            @pl.when(cc + 2 < CHUNKS)
            def _prefetch_in():
                pltpu.async_copy(in_slice(cc + 2), in_v, sin[b])

            pltpu.async_copy(out_v, out_slice(cc), sout[b])

    for b in range(2):
        pltpu.make_async_copy(out_bufs[b], out_slice(CHUNKS - 2 + b),
                              sout[b]).wait()


_sc_hist_kernel = None


def _get_sc_kernel():
    global _sc_hist_kernel
    if _sc_hist_kernel is None:
        mesh = plsc.VectorSubcoreMesh(
            core_axis_name="c",
            subcore_axis_name="s",
            num_cores=NUM_CORES,
            num_subcores=NUM_SUBCORES,
        )
        _sc_hist_kernel = pl.kernel(
            _sc_hist_body,
            out_type=jax.ShapeDtypeStruct((B, OUT_COLS), jnp.float32),
            mesh=mesh,
            scratch_types=[
                pltpu.VMEM((CHUNK, N), jnp.float32),
                pltpu.VMEM((CHUNK, N), jnp.float32),
                pltpu.VMEM((CHUNK, OUT_COLS), jnp.float32),
                pltpu.VMEM((CHUNK, OUT_COLS), jnp.float32),
                pltpu.VMEM((HIST_WORDS,), jnp.float32),
                pltpu.VMEM((OUT_COLS * LUT_SIZE,), jnp.float32),
                pltpu.SemaphoreType.DMA,
                pltpu.SemaphoreType.DMA,
                pltpu.SemaphoreType.DMA,
                pltpu.SemaphoreType.DMA,
            ],
            compiler_params=pltpu.CompilerParams(needs_layout_passes=False),
        )
    return _sc_hist_kernel


def kernel(cosine, emb):
    lut = jnp.log(jnp.arange(LUT_SIZE, dtype=jnp.float32) + 1.0)
    lut2 = (emb.reshape(OUT_COLS, 1) * lut.reshape(1, LUT_SIZE)).reshape(-1)
    return _get_sc_kernel()(cosine, lut2)

# --- scband reference (transcript-rebuilt; emitter-appended) ---
"""Pipeline reference for scband-sim-tier-level-34325378629727 (READ-ONLY COPY).

The authoritative reference and input builder live on the scoring server;
editing this copy changes nothing except your own understanding.
"""

import jax, jax.numpy as jnp
import numpy as np

EPS = 0.1
N_DIM = 4
BIAS = int(1 / EPS)  # 10
N_BINS = 2 * BIAS + 2  # 22


def setup_inputs(seed: int = 0) -> dict:
    key = jax.random.key(seed)
    k1, k2 = jax.random.split(key)
    cosine = jax.random.uniform(k1, (16384, 200), dtype=jnp.float32)
    # learned embedding parameter, initialized like reset_parameters (uniform)
    emb = jax.random.uniform(k2, (1, N_BINS, N_DIM), dtype=jnp.float32)
    return {"cosine": cosine, "emb": emb}


def reference(cosine, emb):
    bias_power = jnp.float32(1.0 / EPS)
    cosine_ids = jnp.ceil(cosine * bias_power).astype(jnp.int32) + BIAS  # [B, N]
    equal_ranges = jnp.arange(0, N_BINS, dtype=jnp.int32).reshape(1, N_BINS, 1)
    weight = (equal_ranges == cosine_ids[:, None, :]).astype(jnp.float32)  # [B, N_BINS, N]
    times = weight.sum(axis=2, keepdims=True)  # [B, N_BINS, 1] histogram counts
    out = jnp.log(times + 1.0) * emb  # [B, N_BINS, N_DIM]
    return out.reshape(-1, N_BINS * N_DIM)

if __name__ == "__main__":
    import jax
    _d = setup_inputs()
    print(jax.jit(kernel)(*tuple(_d.values())))

</pallas_src>

<mosaic_0001>
#map = affine_map<(d0, d1) -> (0, 0)>
#map1 = affine_map<(d0, d1) -> (0)>
module attributes {stable_mosaic.version = 14 : i64} {
  func.func @_sc_hist_body(%arg0: i32, %arg1: i32, %arg2: memref<16384x200xf32, #tpu.memory_space<hbm>>, %arg3: memref<22528xf32, #tpu.memory_space<hbm>>, %arg4: memref<16384x88xf32, #tpu.memory_space<hbm>>, %arg5: memref<64x200xf32, #tpu.memory_space<vmem>>, %arg6: memref<64x200xf32, #tpu.memory_space<vmem>>, %arg7: memref<64x88xf32, #tpu.memory_space<vmem>>, %arg8: memref<64x88xf32, #tpu.memory_space<vmem>>, %arg9: memref<352xf32, #tpu.memory_space<vmem>>, %arg10: memref<22528xf32, #tpu.memory_space<vmem>>, %arg11: memref<!tpu.dma_semaphore, #tpu.memory_space<semaphore_mem>>, %arg12: memref<!tpu.dma_semaphore, #tpu.memory_space<semaphore_mem>>, %arg13: memref<!tpu.dma_semaphore, #tpu.memory_space<semaphore_mem>>, %arg14: memref<!tpu.dma_semaphore, #tpu.memory_space<semaphore_mem>>) attributes {dimension_semantics = [#tpu.dimension_semantics<core_parallel>, #tpu.dimension_semantics<subcore_parallel>], iteration_bounds = array<i64: 2, 16>, scalar_prefetch = 0 : i64, scratch_operands = 10 : i64, tpu.core_type = #tpu.core_type<sc_vector_subcore>, window_params = [{transform_indices = #map}, {transform_indices = #map1}, {transform_indices = #map}]} {
    %mul3A = arith.constant 2 : i32
    %mul3A_0 = arith.muli %arg1, %mul3A : i32
    %add3A = arith.addi %mul3A_0, %arg0 : i32
    %mul3A_1 = arith.constant 512 : i32
    %mul3A_2 = arith.muli %add3A, %mul3A_1 : i32
    "tpu.region"() ({
      %run_scoped3A = tpu.sem_alloc : memref<!tpu.dma_semaphore, #tpu.memory_space<semaphore_mem>>
      tpu.enqueue_dma source(%arg3 : memref<22528xf32, #tpu.memory_space<hbm>>) target(%arg10 : memref<22528xf32, #tpu.memory_space<vmem>>) target_semaphore(%run_scoped3A : memref<!tpu.dma_semaphore, #tpu.memory_space<semaphore_mem>>)
      tpu.wait_dma2 semaphore(%run_scoped3A : memref<!tpu.dma_semaphore, #tpu.memory_space<semaphore_mem>>) src(%arg3 : memref<22528xf32, #tpu.memory_space<hbm>>) dst(%arg10 : memref<22528xf32, #tpu.memory_space<vmem>>)
      tpu.yield
    }) : () -> ()
    %iota3A = tpu.iota {dimensions = array<i32: 0>} : vector<16xi32>
    %add3A_3 = arith.constant 160 : i32
    %add3A_4 = vector.broadcast %add3A_3 : i32 to vector<16xi32>
    %add3A_5 = arith.addi %iota3A, %add3A_4 : vector<16xi32>
    %add3A_6 = arith.constant 176 : i32
    %add3A_7 = vector.broadcast %add3A_6 : i32 to vector<16xi32>
    %add3A_8 = arith.addi %iota3A, %add3A_7 : vector<16xi32>
    %sub3A = arith.constant 128 : i32
    %sub3A_9 = vector.broadcast %sub3A : i32 to vector<16xi32>
    %sub3A_10 = arith.subi %iota3A, %sub3A_9 : vector<16xi32>
    %broadcast_in_dim3A = arith.constant 1.000000e+00 : f32
    %broadcast_in_dim3A_11 = vector.broadcast %broadcast_in_dim3A : f32 to vector<16xf32>
    %broadcast_in_dim3A_12 = arith.constant 0.000000e+00 : f32
    %broadcast_in_dim3A_13 = vector.broadcast %broadcast_in_dim3A_12 : f32 to vector<16xf32>
    %add3A_14 = arith.constant 0 : i32
    %add3A_15 = arith.addi %mul3A_2, %add3A_14 : i32
    %dma_start3A = arith.constant 0 : i32
    %dma_start3A_16 = tpu.memref_slice %arg2[%add3A_15, %dma_start3A] : memref<16384x200xf32, #tpu.memory_space<hbm>> -> memref<64x200xf32, #tpu.memory_space<hbm>>
    %dma_start3A_17 = arith.constant 0 : i32
    %dma_start3A_18 = tpu.memref_slice %arg2[%add3A_15, %dma_start3A_17] : memref<16384x200xf32, #tpu.memory_space<hbm>> -> memref<64x200xf32, #tpu.memory_space<hbm>>
    tpu.enqueue_dma source(%dma_start3A_18 : memref<64x200xf32, #tpu.memory_space<hbm>>) target(%arg5 : memref<64x200xf32, #tpu.memory_space<vmem>>) target_semaphore(%arg11 : memref<!tpu.dma_semaphore, #tpu.memory_space<semaphore_mem>>)
    %add3A_19 = arith.constant 64 : i32
    %add3A_20 = arith.addi %mul3A_2, %add3A_19 : i32
    %dma_start3A_21 = arith.constant 0 : i32
    %dma_start3A_22 = tpu.memref_slice %arg2[%add3A_20, %dma_start3A_21] : memref<16384x200xf32, #tpu.memory_space<hbm>> -> memref<64x200xf32, #tpu.memory_space<hbm>>
    %dma_start3A_23 = arith.constant 0 : i32
    %dma_start3A_24 = tpu.memref_slice %arg2[%add3A_20, %dma_start3A_23] : memref<16384x200xf32, #tpu.memory_space<hbm>> -> memref<64x200xf32, #tpu.memory_space<hbm>>
    tpu.enqueue_dma source(%dma_start3A_24 : memref<64x200xf32, #tpu.memory_space<hbm>>) target(%arg6 : memref<64x200xf32, #tpu.memory_space<vmem>>) target_semaphore(%arg12 : memref<!tpu.dma_semaphore, #tpu.memory_space<semaphore_mem>>)
    %scan3A = arith.constant 0 : i32
    %scan3A_25 = arith.constant 4 : i32
    %scan3A_26 = arith.addi %scan3A, %scan3A_25 : i32
    %scan3A_27 = arith.constant 1 : i32
    scf.for %scan3A_40 = %scan3A to %scan3A_26 step %scan3A_27  : i32 {
      %mul3A_41 = arith.constant 2 : i32
      %mul3A_42 = arith.muli %scan3A_40, %mul3A_41 : i32
      %add3A_43 = arith.constant 0 : i32
      %add3A_44 = arith.addi %add3A_43, %mul3A_42 : i32
      %add3A_45 = arith.constant 0 : i32
      %add3A_46 = arith.addi %add3A_44, %add3A_45 : i32
      %mul3A_47 = arith.constant 64 : i32
      %mul3A_48 = arith.muli %add3A_46, %mul3A_47 : i32
      %add3A_49 = arith.addi %mul3A_2, %mul3A_48 : i32
      %dma_wait3A_50 = arith.constant 0 : i32
      %dma_wait3A_51 = tpu.memref_slice %arg2[%add3A_49, %dma_wait3A_50] : memref<16384x200xf32, #tpu.memory_space<hbm>> -> memref<64x200xf32, #tpu.memory_space<hbm>>
      %dma_wait3A_52 = arith.constant 0 : i32
      %dma_wait3A_53 = tpu.memref_slice %arg2[%add3A_49, %dma_wait3A_52] : memref<16384x200xf32, #tpu.memory_space<hbm>> -> memref<64x200xf32, #tpu.memory_space<hbm>>
      tpu.wait_dma2 semaphore(%arg11 : memref<!tpu.dma_semaphore, #tpu.memory_space<semaphore_mem>>) src(%dma_wait3A_53 : memref<64x200xf32, #tpu.memory_space<hbm>>) dst(%arg5 : memref<64x200xf32, #tpu.memory_space<vmem>>)
      %ge3A = arith.constant 2 : i32
      %ge3A_54 = arith.cmpi sge, %add3A_46, %ge3A : i32
      %convert_element_type3A = arith.extui %ge3A_54 : i1 to i32
      %cond3A = arith.constant 0 : i32
      %cond3A_55 = arith.cmpi ne, %convert_element_type3A, %cond3A : i32
      scf.if %cond3A_55 {
        %sub3A_107 = arith.constant 2 : i32
        %sub3A_108 = arith.subi %add3A_46, %sub3A_107 : i32
        %mul3A_109 = arith.constant 64 : i32
        %mul3A_110 = arith.muli %sub3A_108, %mul3A_109 : i32
        %add3A_111 = arith.addi %mul3A_2, %mul3A_110 : i32
        %dma_wait3A_112 = arith.constant 0 : i32
        %dma_wait3A_113 = tpu.memref_slice %arg4[%add3A_111, %dma_wait3A_112] : memref<16384x88xf32, #tpu.memory_space<hbm>> -> memref<64x88xf32, #tpu.memory_space<hbm>>
        %dma_wait3A_114 = arith.constant 0 : i32
        %dma_wait3A_115 = tpu.memref_slice %arg4[%add3A_111, %dma_wait3A_114] : memref<16384x88xf32, #tpu.memory_space<hbm>> -> memref<64x88xf32, #tpu.memory_space<hbm>>
        tpu.wait_dma2 semaphore(%arg13 : memref<!tpu.dma_semaphore, #tpu.memory_space<semaphore_mem>>) src(%arg7 : memref<64x88xf32, #tpu.memory_space<vmem>>) dst(%dma_wait3A_115 : memref<64x88xf32, #tpu.memory_space<hbm>>)
      } else {
      }
      %scan3A_56 = arith.constant 0 : i32
      %scan3A_57 = arith.constant 4 : i32
      %scan3A_58 = arith.addi %scan3A_56, %scan3A_57 : i32
      %scan3A_59 = arith.constant 1 : i32
      scf.for %scan3A_107 = %scan3A_56 to %scan3A_58 step %scan3A_59  : i32 {
        %mul3A_108 = arith.constant 1 : i32
        %mul3A_109 = arith.muli %scan3A_107, %mul3A_108 : i32
        %add3A_110 = arith.constant 0 : i32
        %add3A_111 = arith.addi %add3A_110, %mul3A_109 : i32
        %swap3A = arith.constant 0 : index
        %swap3A_112 = tpu.vector_load %arg9[%swap3A] {strides = array<i32>} : memref<352xf32, #tpu.memory_space<vmem>>, vector<16xf32>,
        tpu.vector_store %arg9[%swap3A], %broadcast_in_dim3A_13 {strides = array<i32>} : memref<352xf32, #tpu.memory_space<vmem>>, vector<16xf32>,
        %swap3A_113 = arith.constant 16 : index
        %swap3A_114 = tpu.vector_load %arg9[%swap3A_113] {strides = array<i32>} : memref<352xf32, #tpu.memory_space<vmem>>, vector<16xf32>,
        tpu.vector_store %arg9[%swap3A_113], %broadcast_in_dim3A_13 {strides = array<i32>} : memref<352xf32, #tpu.memory_space<vmem>>, vector<16xf32>,
        %swap3A_115 = arith.constant 32 : index
        %swap3A_116 = tpu.vector_load %arg9[%swap3A_115] {strides = array<i32>} : memref<352xf32, #tpu.memory_space<vmem>>, vector<16xf32>,
        tpu.vector_store %arg9[%swap3A_115], %broadcast_in_dim3A_13 {strides = array<i32>} : memref<352xf32, #tpu.memory_space<vmem>>, vector<16xf32>,
        %swap3A_117 = arith.constant 48 : index
        %swap3A_118 = tpu.vector_load %arg9[%swap3A_117] {strides = array<i32>} : memref<352xf32, #tpu.memory_space<vmem>>, vector<16xf32>,
        tpu.vector_store %arg9[%swap3A_117], %broadcast_in_dim3A_13 {strides = array<i32>} : memref<352xf32, #tpu.memory_space<vmem>>, vector<16xf32>,
        %swap3A_119 = arith.constant 64 : index
        %swap3A_120 = tpu.vector_load %arg9[%swap3A_119] {strides = array<i32>} : memref<352xf32, #tpu.memory_space<vmem>>, vector<16xf32>,
        tpu.vector_store %arg9[%swap3A_119], %broadcast_in_dim3A_13 {strides = array<i32>} : memref<352xf32, #tpu.memory_space<vmem>>, vector<16xf32>,
        %swap3A_121 = arith.constant 80 : index
        %swap3A_122 = tpu.vector_load %arg9[%swap3A_121] {strides = array<i32>} : memref<352xf32, #tpu.memory_space<vmem>>, vector<16xf32>,
        tpu.vector_store %arg9[%swap3A_121], %broadcast_in_dim3A_13 {strides = array<i32>} : memref<352xf32, #tpu.memory_space<vmem>>, vector<16xf32>,
        %swap3A_123 = arith.constant 96 : index
        %swap3A_124 = tpu.vector_load %arg9[%swap3A_123] {strides = array<i32>} : memref<352xf32, #tpu.memory_space<vmem>>, vector<16xf32>,
        tpu.vector_store %arg9[%swap3A_123], %broadcast_in_dim3A_13 {strides = array<i32>} : memref<352xf32, #tpu.memory_space<vmem>>, vector<16xf32>,
        %swap3A_125 = arith.constant 112 : index
        %swap3A_126 = tpu.vector_load %arg9[%swap3A_125] {strides = array<i32>} : memref<352xf32, #tpu.memory_space<vmem>>, vector<16xf32>,
        tpu.vector_store %arg9[%swap3A_125], %broadcast_in_dim3A_13 {strides = array<i32>} : memref<352xf32, #tpu.memory_space<vmem>>, vector<16xf32>,
        %swap3A_127 = arith.constant 128 : index
        %swap3A_128 = tpu.vector_load %arg9[%swap3A_127] {strides = array<i32>} : memref<352xf32, #tpu.memory_space<vmem>>, vector<16xf32>,
        tpu.vector_store %arg9[%swap3A_127], %broadcast_in_dim3A_13 {strides = array<i32>} : memref<352xf32, #tpu.memory_space<vmem>>, vector<16xf32>,
        %swap3A_129 = arith.constant 144 : index
        %swap3A_130 = tpu.vector_load %arg9[%swap3A_129] {strides = array<i32>} : memref<352xf32, #tpu.memory_space<vmem>>, vector<16xf32>,
        tpu.vector_store %arg9[%swap3A_129], %broadcast_in_dim3A_13 {strides = array<i32>} : memref<352xf32, #tpu.memory_space<vmem>>, vector<16xf32>,
        %swap3A_131 = arith.constant 160 : index
        %swap3A_132 = tpu.vector_load %arg9[%swap3A_131] {strides = array<i32>} : memref<352xf32, #tpu.memory_space<vmem>>, vector<16xf32>,
        tpu.vector_store %arg9[%swap3A_131], %broadcast_in_dim3A_13 {strides = array<i32>} : memref<352xf32, #tpu.memory_space<vmem>>, vector<16xf32>,
        %swap3A_133 = arith.constant 176 : index
        %swap3A_134 = tpu.vector_load %arg9[%swap3A_133] {strides = array<i32>} : memref<352xf32, #tpu.memory_space<vmem>>, vector<16xf32>,
        tpu.vector_store %arg9[%swap3A_133], %broadcast_in_dim3A_13 {strides = array<i32>} : memref<352xf32, #tpu.memory_space<vmem>>, vector<16xf32>,
        %swap3A_135 = arith.constant 192 : index
        %swap3A_136 = tpu.vector_load %arg9[%swap3A_135] {strides = array<i32>} : memref<352xf32, #tpu.memory_space<vmem>>, vector<16xf32>,
        tpu.vector_store %arg9[%swap3A_135], %broadcast_in_dim3A_13 {strides = array<i32>} : memref<352xf32, #tpu.memory_space<vmem>>, vector<16xf32>,
        %swap3A_137 = arith.constant 208 : index
        %swap3A_138 = tpu.vector_load %arg9[%swap3A_137] {strides = array<i32>} : memref<352xf32, #tpu.memory_space<vmem>>, vector<16xf32>,
        tpu.vector_store %arg9[%swap3A_137], %broadcast_in_dim3A_13 {strides = array<i32>} : memref<352xf32, #tpu.memory_space<vmem>>, vector<16xf32>,
        %swap3A_139 = arith.constant 224 : index
        %swap3A_140 = tpu.vector_load %arg9[%swap3A_139] {strides = array<i32>} : memref<352xf32, #tpu.memory_space<vmem>>, vector<16xf32>,
        tpu.vector_store %arg9[%swap3A_139], %broadcast_in_dim3A_13 {strides = array<i32>} : memref<352xf32, #tpu.memory_space<vmem>>, vector<16xf32>,
        %swap3A_141 = arith.constant 240 : index
        %swap3A_142 = tpu.vector_load %arg9[%swap3A_141] {strides = array<i32>} : memref<352xf32, #tpu.memory_space<vmem>>, vector<16xf32>,
        tpu.vector_store %arg9[%swap3A_141], %broadcast_in_dim3A_13 {strides = array<i32>} : memref<352xf32, #tpu.memory_space<vmem>>, vector<16xf32>,
        %swap3A_143 = arith.constant 256 : index
        %swap3A_144 = tpu.vector_load %arg9[%swap3A_143] {strides = array<i32>} : memref<352xf32, #tpu.memory_space<vmem>>, vector<16xf32>,
        tpu.vector_store %arg9[%swap3A_143], %broadcast_in_dim3A_13 {strides = array<i32>} : memref<352xf32, #tpu.memory_space<vmem>>, vector<16xf32>,
        %swap3A_145 = arith.constant 272 : index
        %swap3A_146 = tpu.vector_load %arg9[%swap3A_145] {strides = array<i32>} : memref<352xf32, #tpu.memory_space<vmem>>, vector<16xf32>,
        tpu.vector_store %arg9[%swap3A_145], %broadcast_in_dim3A_13 {strides = array<i32>} : memref<352xf32, #tpu.memory_space<vmem>>, vector<16xf32>,
        %swap3A_147 = arith.constant 288 : index
        %swap3A_148 = tpu.vector_load %arg9[%swap3A_147] {strides = array<i32>} : memref<352xf32, #tpu.memory_space<vmem>>, vector<16xf32>,
        tpu.vector_store %arg9[%swap3A_147], %broadcast_in_dim3A_13 {strides = array<i32>} : memref<352xf32, #tpu.memory_space<vmem>>, vector<16xf32>,
        %swap3A_149 = arith.constant 304 : index
        %swap3A_150 = tpu.vector_load %arg9[%swap3A_149] {strides = array<i32>} : memref<352xf32, #tpu.memory_space<vmem>>, vector<16xf32>,
        tpu.vector_store %arg9[%swap3A_149], %broadcast_in_dim3A_13 {strides = array<i32>} : memref<352xf32, #tpu.memory_space<vmem>>, vector<16xf32>,
        %swap3A_151 = arith.constant 320 : index
        %swap3A_152 = tpu.vector_load %arg9[%swap3A_151] {strides = array<i32>} : memref<352xf32, #tpu.memory_space<vmem>>, vector<16xf32>,
        tpu.vector_store %arg9[%swap3A_151], %broadcast_in_dim3A_13 {strides = array<i32>} : memref<352xf32, #tpu.memory_space<vmem>>, vector<16xf32>,
        %swap3A_153 = arith.constant 336 : index
        %swap3A_154 = tpu.vector_load %arg9[%swap3A_153] {strides = array<i32>} : memref<352xf32, #tpu.memory_space<vmem>>, vector<16xf32>,
        tpu.vector_store %arg9[%swap3A_153], %broadcast_in_dim3A_13 {strides = array<i32>} : memref<352xf32, #tpu.memory_space<vmem>>, vector<16xf32>,
        %mul3A_155 = arith.constant 16 : i32
        %mul3A_156 = arith.muli %add3A_111, %mul3A_155 : i32
        %add3A_157 = vector.broadcast %mul3A_156 : i32 to vector<16xi32>
        %add3A_158 = arith.addi %iota3A, %add3A_157 : vector<16xi32>
        %parallel_loop3A = arith.constant 0 : i32
        %parallel_loop3A_159 = arith.constant 113 : i32
        %parallel_loop3A_160 = arith.constant 1 : i32
        scf.for %parallel_loop3A_173 = %parallel_loop3A to %parallel_loop3A_159 step %parallel_loop3A_160  : i32 {
          %parallel_loop3A_174 = vector.broadcast %parallel_loop3A_173 : i32 to vector<16xi32>
          %parallel_loop3A_175 = arith.addi %iota3A, %parallel_loop3A_174 : vector<16xi32>
          %parallel_loop3A_176 = arith.constant 127 : i32
          %parallel_loop3A_177 = vector.broadcast %parallel_loop3A_176 : i32 to vector<16xi32>
          %parallel_loop3A_178 = arith.andi %parallel_loop3A_175, %parallel_loop3A_177 : vector<16xi32>
          %parallel_loop3A_179 = tpu.vector_load_idx %arg5[%add3A_158, %parallel_loop3A_178] : memref<64x200xf32, #tpu.memory_space<vmem>>[vector<16xi32>, vector<16xi32>], vector<16xf32>,
          %parallel_loop3A_180 = arith.constant 1.000000e+01 : f32
          %parallel_loop3A_181 = vector.broadcast %parallel_loop3A_180 : f32 to vector<16xf32>
          %parallel_loop3A_182 = arith.mulf %parallel_loop3A_179, %parallel_loop3A_181 : vector<16xf32>
          %parallel_loop3A_183 = arith.fptosi %parallel_loop3A_182 : vector<16xf32> to vector<16xi32>
          %parallel_loop3A_184 = arith.sitofp %parallel_loop3A_183 : vector<16xi32> to vector<16xf32>
          %parallel_loop3A_185 = arith.constant 4 : i32
          %parallel_loop3A_186 = vector.broadcast %parallel_loop3A_185 : i32 to vector<16xi32>
          %parallel_loop3A_187 = arith.shli %parallel_loop3A_183, %parallel_loop3A_186 : vector<16xi32>
          %parallel_loop3A_188 = arith.cmpf olt, %parallel_loop3A_184, %parallel_loop3A_182 : vector<16xf32>
          %parallel_loop3A_189 = arith.select %parallel_loop3A_188, %add3A_8, %add3A_5 : vector<16xi1>, vector<16xi32>
          %parallel_loop3A_190 = arith.addi %parallel_loop3A_187, %parallel_loop3A_189 : vector<16xi32>
          tpu.vector_store_idx %arg9[%parallel_loop3A_190], %broadcast_in_dim3A_11 {add = true} : memref<352xf32, #tpu.memory_space<vmem>>[vector<16xi32>], vector<16xf32>,
        } {sc.loop_unroll_factor = 8 : i64, sc.parallel_access}
        %parallel_loop3A_161 = arith.constant 113 : i32
        %parallel_loop3A_162 = arith.constant 128 : i32
        %parallel_loop3A_163 = arith.constant 1 : i32
        scf.for %parallel_loop3A_173 = %parallel_loop3A_161 to %parallel_loop3A_162 step %parallel_loop3A_163  : i32 {
          %parallel_loop3A_174 = vector.broadcast %parallel_loop3A_173 : i32 to vector<16xi32>
          %parallel_loop3A_175 = arith.addi %iota3A, %parallel_loop3A_174 : vector<16xi32>
          %parallel_loop3A_176 = tpu.vector_load_idx %arg5[%add3A_158, %parallel_loop3A_175] : memref<64x200xf32, #tpu.memory_space<vmem>>[vector<16xi32>, vector<16xi32>], vector<16xf32>,
          %parallel_loop3A_177 = arith.constant 1.000000e+01 : f32
          %parallel_loop3A_178 = vector.broadcast %parallel_loop3A_177 : f32 to vector<16xf32>
          %parallel_loop3A_179 = arith.mulf %parallel_loop3A_176, %parallel_loop3A_178 : vector<16xf32>
          %parallel_loop3A_180 = arith.fptosi %parallel_loop3A_179 : vector<16xf32> to vector<16xi32>
          %parallel_loop3A_181 = arith.sitofp %parallel_loop3A_180 : vector<16xi32> to vector<16xf32>
          %parallel_loop3A_182 = arith.constant 4 : i32
          %parallel_loop3A_183 = vector.broadcast %parallel_loop3A_182 : i32 to vector<16xi32>
          %parallel_loop3A_184 = arith.shli %parallel_loop3A_180, %parallel_loop3A_183 : vector<16xi32>
          %parallel_loop3A_185 = arith.cmpf olt, %parallel_loop3A_181, %parallel_loop3A_179 : vector<16xf32>
          %parallel_loop3A_186 = arith.select %parallel_loop3A_185, %add3A_8, %add3A_5 : vector<16xi1>, vector<16xi32>
          %parallel_loop3A_187 = arith.addi %parallel_loop3A_184, %parallel_loop3A_186 : vector<16xi32>
          tpu.vector_store_idx %arg9[%parallel_loop3A_187], %broadcast_in_dim3A_11 {add = true} : memref<352xf32, #tpu.memory_space<vmem>>[vector<16xi32>], vector<16xf32>,
        } {sc.loop_unroll_factor = 5 : i64, sc.parallel_access}
        %parallel_loop3A_164 = arith.constant 128 : i32
        %parallel_loop3A_165 = arith.constant 185 : i32
        %parallel_loop3A_166 = arith.constant 1 : i32
        scf.for %parallel_loop3A_173 = %parallel_loop3A_164 to %parallel_loop3A_165 step %parallel_loop3A_166  : i32 {
          %parallel_loop3A_174 = vector.broadcast %parallel_loop3A_173 : i32 to vector<16xi32>
          %parallel_loop3A_175 = arith.addi %sub3A_10, %parallel_loop3A_174 : vector<16xi32>
          %parallel_loop3A_176 = arith.constant 127 : i32
          %parallel_loop3A_177 = vector.broadcast %parallel_loop3A_176 : i32 to vector<16xi32>
          %parallel_loop3A_178 = arith.andi %parallel_loop3A_175, %parallel_loop3A_177 : vector<16xi32>
          %parallel_loop3A_179 = arith.constant 128 : i32
          %parallel_loop3A_180 = vector.broadcast %parallel_loop3A_179 : i32 to vector<16xi32>
          %parallel_loop3A_181 = arith.addi %parallel_loop3A_178, %parallel_loop3A_180 : vector<16xi32>
          %parallel_loop3A_182 = tpu.vector_load_idx %arg5[%add3A_158, %parallel_loop3A_181] : memref<64x200xf32, #tpu.memory_space<vmem>>[vector<16xi32>, vector<16xi32>], vector<16xf32>,
          %parallel_loop3A_183 = arith.constant 1.000000e+01 : f32
          %parallel_loop3A_184 = vector.broadcast %parallel_loop3A_183 : f32 to vector<16xf32>
          %parallel_loop3A_185 = arith.mulf %parallel_loop3A_182, %parallel_loop3A_184 : vector<16xf32>
          %parallel_loop3A_186 = arith.fptosi %parallel_loop3A_185 : vector<16xf32> to vector<16xi32>
          %parallel_loop3A_187 = arith.sitofp %parallel_loop3A_186 : vector<16xi32> to vector<16xf32>
          %parallel_loop3A_188 = arith.constant 4 : i32
          %parallel_loop3A_189 = vector.broadcast %parallel_loop3A_188 : i32 to vector<16xi32>
          %parallel_loop3A_190 = arith.shli %parallel_loop3A_186, %parallel_loop3A_189 : vector<16xi32>
          %parallel_loop3A_191 = arith.cmpf olt, %parallel_loop3A_187, %parallel_loop3A_185 : vector<16xf32>
          %parallel_loop3A_192 = arith.select %parallel_loop3A_191, %add3A_8, %add3A_5 : vector<16xi1>, vector<16xi32>
          %parallel_loop3A_193 = arith.addi %parallel_loop3A_190, %parallel_loop3A_192 : vector<16xi32>
          tpu.vector_store_idx %arg9[%parallel_loop3A_193], %broadcast_in_dim3A_11 {add = true} : memref<352xf32, #tpu.memory_space<vmem>>[vector<16xi32>], vector<16xf32>,
        } {sc.loop_unroll_factor = 8 : i64, sc.parallel_access}
        %parallel_loop3A_167 = arith.constant 185 : i32
        %parallel_loop3A_168 = arith.constant 200 : i32
        %parallel_loop3A_169 = arith.constant 1 : i32
        scf.for %parallel_loop3A_173 = %parallel_loop3A_167 to %parallel_loop3A_168 step %parallel_loop3A_169  : i32 {
          %parallel_loop3A_174 = vector.broadcast %parallel_loop3A_173 : i32 to vector<16xi32>
          %parallel_loop3A_175 = arith.addi %iota3A, %parallel_loop3A_174 : vector<16xi32>
          %parallel_loop3A_176 = arith.constant 200 : i32
          %parallel_loop3A_177 = vector.broadcast %parallel_loop3A_176 : i32 to vector<16xi32>
          %parallel_loop3A_178 = arith.cmpi sge, %parallel_loop3A_175, %parallel_loop3A_177 : vector<16xi32>
          %parallel_loop3A_179 = arith.constant 200 : i32
          %parallel_loop3A_180 = vector.broadcast %parallel_loop3A_179 : i32 to vector<16xi32>
          %parallel_loop3A_181 = arith.subi %parallel_loop3A_175, %parallel_loop3A_180 : vector<16xi32>
          %parallel_loop3A_182 = arith.select %parallel_loop3A_178, %parallel_loop3A_181, %parallel_loop3A_175 : vector<16xi1>, vector<16xi32>
          %parallel_loop3A_183 = tpu.vector_load_idx %arg5[%add3A_158, %parallel_loop3A_182] : memref<64x200xf32, #tpu.memory_space<vmem>>[vector<16xi32>, vector<16xi32>], vector<16xf32>,
          %parallel_loop3A_184 = arith.constant 1.000000e+01 : f32
          %parallel_loop3A_185 = vector.broadcast %parallel_loop3A_184 : f32 to vector<16xf32>
          %parallel_loop3A_186 = arith.mulf %parallel_loop3A_183, %parallel_loop3A_185 : vector<16xf32>
          %parallel_loop3A_187 = arith.fptosi %parallel_loop3A_186 : vector<16xf32> to vector<16xi32>
          %parallel_loop3A_188 = arith.sitofp %parallel_loop3A_187 : vector<16xi32> to vector<16xf32>
          %parallel_loop3A_189 = arith.constant 4 : i32
          %parallel_loop3A_190 = vector.broadcast %parallel_loop3A_189 : i32 to vector<16xi32>
          %parallel_loop3A_191 = arith.shli %parallel_loop3A_187, %parallel_loop3A_190 : vector<16xi32>
          %parallel_loop3A_192 = arith.cmpf olt, %parallel_loop3A_188, %parallel_loop3A_186 : vector<16xf32>
          %parallel_loop3A_193 = arith.select %parallel_loop3A_192, %add3A_8, %add3A_5 : vector<16xi1>, vector<16xi32>
          %parallel_loop3A_194 = arith.addi %parallel_loop3A_191, %parallel_loop3A_193 : vector<16xi32>
          tpu.vector_store_idx %arg9[%parallel_loop3A_194], %broadcast_in_dim3A_11 {add = true} : memref<352xf32, #tpu.memory_space<vmem>>[vector<16xi32>], vector<16xf32>,
        } {sc.loop_unroll_factor = 5 : i64, sc.parallel_access}
        %parallel_loop3A_170 = arith.constant 0 : i32
        %parallel_loop3A_171 = arith.constant 22 : i32
        %parallel_loop3A_172 = arith.constant 1 : i32
        scf.for %parallel_loop3A_173 = %parallel_loop3A_170 to %parallel_loop3A_171 step %parallel_loop3A_172  : i32 {
          %parallel_loop3A_174 = arith.constant 16 : i32
          %parallel_loop3A_175 = arith.muli %parallel_loop3A_173, %parallel_loop3A_174 : i32
          %parallel_loop3A_176 = arith.index_cast %parallel_loop3A_175 : i32 to index
          %parallel_loop3A_177 = tpu.vector_load %arg9[%parallel_loop3A_176] {strides = array<i32>} : memref<352xf32, #tpu.memory_space<vmem>>, vector<16xf32>,
          %parallel_loop3A_178 = arith.fptosi %parallel_loop3A_177 : vector<16xf32> to vector<16xi32>
          %parallel_loop3A_179 = arith.constant 1024 : i32
          %parallel_loop3A_180 = arith.muli %parallel_loop3A_173, %parallel_loop3A_179 : i32
          %parallel_loop3A_181 = arith.constant 0 : i32
          %parallel_loop3A_182 = arith.addi %parallel_loop3A_180, %parallel_loop3A_181 : i32
          %parallel_loop3A_183 = vector.broadcast %parallel_loop3A_182 : i32 to vector<16xi32>
          %parallel_loop3A_184 = arith.addi %parallel_loop3A_178, %parallel_loop3A_183 : vector<16xi32>
          %parallel_loop3A_185 = tpu.vector_load_idx %arg10[%parallel_loop3A_184] : memref<22528xf32, #tpu.memory_space<vmem>>[vector<16xi32>], vector<16xf32>,
          %parallel_loop3A_186 = arith.constant 4 : i32
          %parallel_loop3A_187 = arith.muli %parallel_loop3A_186, %parallel_loop3A_173 : i32
          %parallel_loop3A_188 = arith.constant 0 : i32
          %parallel_loop3A_189 = arith.addi %parallel_loop3A_187, %parallel_loop3A_188 : i32
          %parallel_loop3A_190 = vector.broadcast %parallel_loop3A_189 : i32 to vector<16xi32>
          tpu.vector_store_idx %arg7[%add3A_158, %parallel_loop3A_190], %parallel_loop3A_185 : memref<64x88xf32, #tpu.memory_space<vmem>>[vector<16xi32>, vector<16xi32>], vector<16xf32>,
          %parallel_loop3A_191 = arith.constant 1024 : i32
          %parallel_loop3A_192 = arith.muli %parallel_loop3A_173, %parallel_loop3A_191 : i32
          %parallel_loop3A_193 = arith.constant 256 : i32
          %parallel_loop3A_194 = arith.addi %parallel_loop3A_192, %parallel_loop3A_193 : i32
          %parallel_loop3A_195 = vector.broadcast %parallel_loop3A_194 : i32 to vector<16xi32>
          %parallel_loop3A_196 = arith.addi %parallel_loop3A_178, %parallel_loop3A_195 : vector<16xi32>
          %parallel_loop3A_197 = tpu.vector_load_idx %arg10[%parallel_loop3A_196] : memref<22528xf32, #tpu.memory_space<vmem>>[vector<16xi32>], vector<16xf32>,
          %parallel_loop3A_198 = arith.constant 4 : i32
          %parallel_loop3A_199 = arith.muli %parallel_loop3A_198, %parallel_loop3A_173 : i32
          %parallel_loop3A_200 = arith.constant 1 : i32
          %parallel_loop3A_201 = arith.addi %parallel_loop3A_199, %parallel_loop3A_200 : i32
          %parallel_loop3A_202 = vector.broadcast %parallel_loop3A_201 : i32 to vector<16xi32>
          tpu.vector_store_idx %arg7[%add3A_158, %parallel_loop3A_202], %parallel_loop3A_197 : memref<64x88xf32, #tpu.memory_space<vmem>>[vector<16xi32>, vector<16xi32>], vector<16xf32>,
          %parallel_loop3A_203 = arith.constant 1024 : i32
          %parallel_loop3A_204 = arith.muli %parallel_loop3A_173, %parallel_loop3A_203 : i32
          %parallel_loop3A_205 = arith.constant 512 : i32
          %parallel_loop3A_206 = arith.addi %parallel_loop3A_204, %parallel_loop3A_205 : i32
          %parallel_loop3A_207 = vector.broadcast %parallel_loop3A_206 : i32 to vector<16xi32>
          %parallel_loop3A_208 = arith.addi %parallel_loop3A_178, %parallel_loop3A_207 : vector<16xi32>
          %parallel_loop3A_209 = tpu.vector_load_idx %arg10[%parallel_loop3A_208] : memref<22528xf32, #tpu.memory_space<vmem>>[vector<16xi32>], vector<16xf32>,
          %parallel_loop3A_210 = arith.constant 4 : i32
          %parallel_loop3A_211 = arith.muli %parallel_loop3A_210, %parallel_loop3A_173 : i32
          %parallel_loop3A_212 = arith.constant 2 : i32
          %parallel_loop3A_213 = arith.addi %parallel_loop3A_211, %parallel_loop3A_212 : i32
          %parallel_loop3A_214 = vector.broadcast %parallel_loop3A_213 : i32 to vector<16xi32>
          tpu.vector_store_idx %arg7[%add3A_158, %parallel_loop3A_214], %parallel_loop3A_209 : memref<64x88xf32, #tpu.memory_space<vmem>>[vector<16xi32>, vector<16xi32>], vector<16xf32>,
          %parallel_loop3A_215 = arith.constant 1024 : i32
          %parallel_loop3A_216 = arith.muli %parallel_loop3A_173, %parallel_loop3A_215 : i32
          %parallel_loop3A_217 = arith.constant 768 : i32
          %parallel_loop3A_218 = arith.addi %parallel_loop3A_216, %parallel_loop3A_217 : i32
          %parallel_loop3A_219 = vector.broadcast %parallel_loop3A_218 : i32 to vector<16xi32>
          %parallel_loop3A_220 = arith.addi %parallel_loop3A_178, %parallel_loop3A_219 : vector<16xi32>
          %parallel_loop3A_221 = tpu.vector_load_idx %arg10[%parallel_loop3A_220] : memref<22528xf32, #tpu.memory_space<vmem>>[vector<16xi32>], vector<16xf32>,
          %parallel_loop3A_222 = arith.constant 4 : i32
          %parallel_loop3A_223 = arith.muli %parallel_loop3A_222, %parallel_loop3A_173 : i32
          %parallel_loop3A_224 = arith.constant 3 : i32
          %parallel_loop3A_225 = arith.addi %parallel_loop3A_223, %parallel_loop3A_224 : i32
          %parallel_loop3A_226 = vector.broadcast %parallel_loop3A_225 : i32 to vector<16xi32>
          tpu.vector_store_idx %arg7[%add3A_158, %parallel_loop3A_226], %parallel_loop3A_221 : memref<64x88xf32, #tpu.memory_space<vmem>>[vector<16xi32>, vector<16xi32>], vector<16xf32>,
        } {sc.loop_unroll_factor = 2 : i64, sc.parallel_access}
      }
      %scan3A_60 = arith.constant 4 : i32
      %add3A_61 = arith.constant 2 : i32
      %add3A_62 = arith.addi %add3A_46, %add3A_61 : i32
      %lt3A = arith.constant 8 : i32
      %lt3A_63 = arith.cmpi slt, %add3A_62, %lt3A : i32
      %convert_element_type3A_64 = arith.extui %lt3A_63 : i1 to i32
      %cond3A_65 = arith.constant 0 : i32
      %cond3A_66 = arith.cmpi ne, %convert_element_type3A_64, %cond3A_65 : i32
      scf.if %cond3A_66 {
        %add3A_107 = arith.constant 2 : i32
        %add3A_108 = arith.addi %add3A_46, %add3A_107 : i32
        %mul3A_109 = arith.constant 64 : i32
        %mul3A_110 = arith.muli %add3A_108, %mul3A_109 : i32
        %add3A_111 = arith.addi %mul3A_2, %mul3A_110 : i32
        %dma_start3A_112 = arith.constant 0 : i32
        %dma_start3A_113 = tpu.memref_slice %arg2[%add3A_111, %dma_start3A_112] : memref<16384x200xf32, #tpu.memory_space<hbm>> -> memref<64x200xf32, #tpu.memory_space<hbm>>
        %dma_start3A_114 = arith.constant 0 : i32
        %dma_start3A_115 = tpu.memref_slice %arg2[%add3A_111, %dma_start3A_114] : memref<16384x200xf32, #tpu.memory_space<hbm>> -> memref<64x200xf32, #tpu.memory_space<hbm>>
        tpu.enqueue_dma source(%dma_start3A_115 : memref<64x200xf32, #tpu.memory_space<hbm>>) target(%arg5 : memref<64x200xf32, #tpu.memory_space<vmem>>) target_semaphore(%arg11 : memref<!tpu.dma_semaphore, #tpu.memory_space<semaphore_mem>>)
      } else {
      }
      %mul3A_67 = arith.constant 64 : i32
      %mul3A_68 = arith.muli %add3A_46, %mul3A_67 : i32
      %add3A_69 = arith.addi %mul3A_2, %mul3A_68 : i32
      %dma_start3A_70 = arith.constant 0 : i32
      %dma_start3A_71 = tpu.memref_slice %arg4[%add3A_69, %dma_start3A_70] : memref<16384x88xf32, #tpu.memory_space<hbm>> -> memref<64x88xf32, #tpu.memory_space<hbm>>
      %dma_start3A_72 = arith.constant 0 : i32
      %dma_start3A_73 = tpu.memref_slice %arg4[%add3A_69, %dma_start3A_72] : memref<16384x88xf32, #tpu.memory_space<hbm>> -> memref<64x88xf32, #tpu.memory_space<hbm>>
      tpu.enqueue_dma source(%arg7 : memref<64x88xf32, #tpu.memory_space<vmem>>) target(%dma_start3A_73 : memref<64x88xf32, #tpu.memory_space<hbm>>) target_semaphore(%arg13 : memref<!tpu.dma_semaphore, #tpu.memory_space<semaphore_mem>>)
      %add3A_74 = arith.constant 1 : i32
      %add3A_75 = arith.addi %add3A_44, %add3A_74 : i32
      %mul3A_76 = arith.constant 64 : i32
      %mul3A_77 = arith.muli %add3A_75, %mul3A_76 : i32
      %add3A_78 = arith.addi %mul3A_2, %mul3A_77 : i32
      %dma_wait3A_79 = arith.constant 0 : i32
      %dma_wait3A_80 = tpu.memref_slice %arg2[%add3A_78, %dma_wait3A_79] : memref<16384x200xf32, #tpu.memory_space<hbm>> -> memref<64x200xf32, #tpu.memory_space<hbm>>
      %dma_wait3A_81 = arith.constant 0 : i32
      %dma_wait3A_82 = tpu.memref_slice %arg2[%add3A_78, %dma_wait3A_81] : memref<16384x200xf32, #tpu.memory_space<hbm>> -> memref<64x200xf32, #tpu.memory_space<hbm>>
      tpu.wait_dma2 semaphore(%arg12 : memref<!tpu.dma_semaphore, #tpu.memory_space<semaphore_mem>>) src(%dma_wait3A_82 : memref<64x200xf32, #tpu.memory_space<hbm>>) dst(%arg6 : memref<64x200xf32, #tpu.memory_space<vmem>>)
      %ge3A_83 = arith.constant 2 : i32
      %ge3A_84 = arith.cmpi sge, %add3A_75, %ge3A_83 : i32
      %convert_element_type3A_85 = arith.extui %ge3A_84 : i1 to i32
      %cond3A_86 = arith.constant 0 : i32
      %cond3A_87 = arith.cmpi ne, %convert_element_type3A_85, %cond3A_86 : i32
      scf.if %cond3A_87 {
        %sub3A_107 = arith.constant 2 : i32
        %sub3A_108 = arith.subi %add3A_75, %sub3A_107 : i32
        %mul3A_109 = arith.constant 64 : i32
        %mul3A_110 = arith.muli %sub3A_108, %mul3A_109 : i32
        %add3A_111 = arith.addi %mul3A_2, %mul3A_110 : i32
        %dma_wait3A_112 = arith.constant 0 : i32
        %dma_wait3A_113 = tpu.memref_slice %arg4[%add3A_111, %dma_wait3A_112] : memref<16384x88xf32, #tpu.memory_space<hbm>> -> memref<64x88xf32, #tpu.memory_space<hbm>>
        %dma_wait3A_114 = arith.constant 0 : i32
        %dma_wait3A_115 = tpu.memref_slice %arg4[%add3A_111, %dma_wait3A_114] : memref<16384x88xf32, #tpu.memory_space<hbm>> -> memref<64x88xf32, #tpu.memory_space<hbm>>
        tpu.wait_dma2 semaphore(%arg14 : memref<!tpu.dma_semaphore, #tpu.memory_space<semaphore_mem>>) src(%arg8 : memref<64x88xf32, #tpu.memory_space<vmem>>) dst(%dma_wait3A_115 : memref<64x88xf32, #tpu.memory_space<hbm>>)
      } else {
      }
      %scan3A_88 = arith.constant 0 : i32
      %scan3A_89 = arith.constant 4 : i32
      %scan3A_90 = arith.addi %scan3A_88, %scan3A_89 : i32
      %scan3A_91 = arith.constant 1 : i32
      scf.for %scan3A_107 = %scan3A_88 to %scan3A_90 step %scan3A_91  : i32 {
        %mul3A_108 = arith.constant 1 : i32
        %mul3A_109 = arith.muli %scan3A_107, %mul3A_108 : i32
        %add3A_110 = arith.constant 0 : i32
        %add3A_111 = arith.addi %add3A_110, %mul3A_109 : i32
        %swap3A = arith.constant 0 : index
        %swap3A_112 = tpu.vector_load %arg9[%swap3A] {strides = array<i32>} : memref<352xf32, #tpu.memory_space<vmem>>, vector<16xf32>,
        tpu.vector_store %arg9[%swap3A], %broadcast_in_dim3A_13 {strides = array<i32>} : memref<352xf32, #tpu.memory_space<vmem>>, vector<16xf32>,
        %swap3A_113 = arith.constant 16 : index
        %swap3A_114 = tpu.vector_load %arg9[%swap3A_113] {strides = array<i32>} : memref<352xf32, #tpu.memory_space<vmem>>, vector<16xf32>,
        tpu.vector_store %arg9[%swap3A_113], %broadcast_in_dim3A_13 {strides = array<i32>} : memref<352xf32, #tpu.memory_space<vmem>>, vector<16xf32>,
        %swap3A_115 = arith.constant 32 : index
        %swap3A_116 = tpu.vector_load %arg9[%swap3A_115] {strides = array<i32>} : memref<352xf32, #tpu.memory_space<vmem>>, vector<16xf32>,
        tpu.vector_store %arg9[%swap3A_115], %broadcast_in_dim3A_13 {strides = array<i32>} : memref<352xf32, #tpu.memory_space<vmem>>, vector<16xf32>,
        %swap3A_117 = arith.constant 48 : index
        %swap3A_118 = tpu.vector_load %arg9[%swap3A_117] {strides = array<i32>} : memref<352xf32, #tpu.memory_space<vmem>>, vector<16xf32>,
        tpu.vector_store %arg9[%swap3A_117], %broadcast_in_dim3A_13 {strides = array<i32>} : memref<352xf32, #tpu.memory_space<vmem>>, vector<16xf32>,
        %swap3A_119 = arith.constant 64 : index
        %swap3A_120 = tpu.vector_load %arg9[%swap3A_119] {strides = array<i32>} : memref<352xf32, #tpu.memory_space<vmem>>, vector<16xf32>,
        tpu.vector_store %arg9[%swap3A_119], %broadcast_in_dim3A_13 {strides = array<i32>} : memref<352xf32, #tpu.memory_space<vmem>>, vector<16xf32>,
        %swap3A_121 = arith.constant 80 : index
        %swap3A_122 = tpu.vector_load %arg9[%swap3A_121] {strides = array<i32>} : memref<352xf32, #tpu.memory_space<vmem>>, vector<16xf32>,
        tpu.vector_store %arg9[%swap3A_121], %broadcast_in_dim3A_13 {strides = array<i32>} : memref<352xf32, #tpu.memory_space<vmem>>, vector<16xf32>,
        %swap3A_123 = arith.constant 96 : index
        %swap3A_124 = tpu.vector_load %arg9[%swap3A_123] {strides = array<i32>} : memref<352xf32, #tpu.memory_space<vmem>>, vector<16xf32>,
        tpu.vector_store %arg9[%swap3A_123], %broadcast_in_dim3A_13 {strides = array<i32>} : memref<352xf32, #tpu.memory_space<vmem>>, vector<16xf32>,
        %swap3A_125 = arith.constant 112 : index
        %swap3A_126 = tpu.vector_load %arg9[%swap3A_125] {strides = array<i32>} : memref<352xf32, #tpu.memory_space<vmem>>, vector<16xf32>,
        tpu.vector_store %arg9[%swap3A_125], %broadcast_in_dim3A_13 {strides = array<i32>} : memref<352xf32, #tpu.memory_space<vmem>>, vector<16xf32>,
        %swap3A_127 = arith.constant 128 : index
        %swap3A_128 = tpu.vector_load %arg9[%swap3A_127] {strides = array<i32>} : memref<352xf32, #tpu.memory_space<vmem>>, vector<16xf32>,
        tpu.vector_store %arg9[%swap3A_127], %broadcast_in_dim3A_13 {strides = array<i32>} : memref<352xf32, #tpu.memory_space<vmem>>, vector<16xf32>,
        %swap3A_129 = arith.constant 144 : index
        %swap3A_130 = tpu.vector_load %arg9[%swap3A_129] {strides = array<i32>} : memref<352xf32, #tpu.memory_space<vmem>>, vector<16xf32>,
        tpu.vector_store %arg9[%swap3A_129], %broadcast_in_dim3A_13 {strides = array<i32>} : memref<352xf32, #tpu.memory_space<vmem>>, vector<16xf32>,
        %swap3A_131 = arith.constant 160 : index
        %swap3A_132 = tpu.vector_load %arg9[%swap3A_131] {strides = array<i32>} : memref<352xf32, #tpu.memory_space<vmem>>, vector<16xf32>,
        tpu.vector_store %arg9[%swap3A_131], %broadcast_in_dim3A_13 {strides = array<i32>} : memref<352xf32, #tpu.memory_space<vmem>>, vector<16xf32>,
        %swap3A_133 = arith.constant 176 : index
        %swap3A_134 = tpu.vector_load %arg9[%swap3A_133] {strides = array<i32>} : memref<352xf32, #tpu.memory_space<vmem>>, vector<16xf32>,
        tpu.vector_store %arg9[%swap3A_133], %broadcast_in_dim3A_13 {strides = array<i32>} : memref<352xf32, #tpu.memory_space<vmem>>, vector<16xf32>,
        %swap3A_135 = arith.constant 192 : index
        %swap3A_136 = tpu.vector_load %arg9[%swap3A_135] {strides = array<i32>} : memref<352xf32, #tpu.memory_space<vmem>>, vector<16xf32>,
        tpu.vector_store %arg9[%swap3A_135], %broadcast_in_dim3A_13 {strides = array<i32>} : memref<352xf32, #tpu.memory_space<vmem>>, vector<16xf32>,
        %swap3A_137 = arith.constant 208 : index
        %swap3A_138 = tpu.vector_load %arg9[%swap3A_137] {strides = array<i32>} : memref<352xf32, #tpu.memory_space<vmem>>, vector<16xf32>,
        tpu.vector_store %arg9[%swap3A_137], %broadcast_in_dim3A_13 {strides = array<i32>} : memref<352xf32, #tpu.memory_space<vmem>>, vector<16xf32>,
        %swap3A_139 = arith.constant 224 : index
        %swap3A_140 = tpu.vector_load %arg9[%swap3A_139] {strides = array<i32>} : memref<352xf32, #tpu.memory_space<vmem>>, vector<16xf32>,
        tpu.vector_store %arg9[%swap3A_139], %broadcast_in_dim3A_13 {strides = array<i32>} : memref<352xf32, #tpu.memory_space<vmem>>, vector<16xf32>,
        %swap3A_141 = arith.constant 240 : index
        %swap3A_142 = tpu.vector_load %arg9[%swap3A_141] {strides = array<i32>} : memref<352xf32, #tpu.memory_space<vmem>>, vector<16xf32>,
        tpu.vector_store %arg9[%swap3A_141], %broadcast_in_dim3A_13 {strides = array<i32>} : memref<352xf32, #tpu.memory_space<vmem>>, vector<16xf32>,
        %swap3A_143 = arith.constant 256 : index
        %swap3A_144 = tpu.vector_load %arg9[%swap3A_143] {strides = array<i32>} : memref<352xf32, #tpu.memory_space<vmem>>, vector<16xf32>,
        tpu.vector_store %arg9[%swap3A_143], %broadcast_in_dim3A_13 {strides = array<i32>} : memref<352xf32, #tpu.memory_space<vmem>>, vector<16xf32>,
        %swap3A_145 = arith.constant 272 : index
        %swap3A_146 = tpu.vector_load %arg9[%swap3A_145] {strides = array<i32>} : memref<352xf32, #tpu.memory_space<vmem>>, vector<16xf32>,
        tpu.vector_store %arg9[%swap3A_145], %broadcast_in_dim3A_13 {strides = array<i32>} : memref<352xf32, #tpu.memory_space<vmem>>, vector<16xf32>,
        %swap3A_147 = arith.constant 288 : index
        %swap3A_148 = tpu.vector_load %arg9[%swap3A_147] {strides = array<i32>} : memref<352xf32, #tpu.memory_space<vmem>>, vector<16xf32>,
        tpu.vector_store %arg9[%swap3A_147], %broadcast_in_dim3A_13 {strides = array<i32>} : memref<352xf32, #tpu.memory_space<vmem>>, vector<16xf32>,
        %swap3A_149 = arith.constant 304 : index
        %swap3A_150 = tpu.vector_load %arg9[%swap3A_149] {strides = array<i32>} : memref<352xf32, #tpu.memory_space<vmem>>, vector<16xf32>,
        tpu.vector_store %arg9[%swap3A_149], %broadcast_in_dim3A_13 {strides = array<i32>} : memref<352xf32, #tpu.memory_space<vmem>>, vector<16xf32>,
        %swap3A_151 = arith.constant 320 : index
        %swap3A_152 = tpu.vector_load %arg9[%swap3A_151] {strides = array<i32>} : memref<352xf32, #tpu.memory_space<vmem>>, vector<16xf32>,
        tpu.vector_store %arg9[%swap3A_151], %broadcast_in_dim3A_13 {strides = array<i32>} : memref<352xf32, #tpu.memory_space<vmem>>, vector<16xf32>,
        %swap3A_153 = arith.constant 336 : index
        %swap3A_154 = tpu.vector_load %arg9[%swap3A_153] {strides = array<i32>} : memref<352xf32, #tpu.memory_space<vmem>>, vector<16xf32>,
        tpu.vector_store %arg9[%swap3A_153], %broadcast_in_dim3A_13 {strides = array<i32>} : memref<352xf32, #tpu.memory_space<vmem>>, vector<16xf32>,
        %mul3A_155 = arith.constant 16 : i32
        %mul3A_156 = arith.muli %add3A_111, %mul3A_155 : i32
        %add3A_157 = vector.broadcast %mul3A_156 : i32 to vector<16xi32>
        %add3A_158 = arith.addi %iota3A, %add3A_157 : vector<16xi32>
        %parallel_loop3A = arith.constant 0 : i32
        %parallel_loop3A_159 = arith.constant 113 : i32
        %parallel_loop3A_160 = arith.constant 1 : i32
        scf.for %parallel_loop3A_173 = %parallel_loop3A to %parallel_loop3A_159 step %parallel_loop3A_160  : i32 {
          %parallel_loop3A_174 = vector.broadcast %parallel_loop3A_173 : i32 to vector<16xi32>
          %parallel_loop3A_175 = arith.addi %iota3A, %parallel_loop3A_174 : vector<16xi32>
          %parallel_loop3A_176 = arith.constant 127 : i32
          %parallel_loop3A_177 = vector.broadcast %parallel_loop3A_176 : i32 to vector<16xi32>
          %parallel_loop3A_178 = arith.andi %parallel_loop3A_175, %parallel_loop3A_177 : vector<16xi32>
          %parallel_loop3A_179 = tpu.vector_load_idx %arg6[%add3A_158, %parallel_loop3A_178] : memref<64x200xf32, #tpu.memory_space<vmem>>[vector<16xi32>, vector<16xi32>], vector<16xf32>,
          %parallel_loop3A_180 = arith.constant 1.000000e+01 : f32
          %parallel_loop3A_181 = vector.broadcast %parallel_loop3A_180 : f32 to vector<16xf32>
          %parallel_loop3A_182 = arith.mulf %parallel_loop3A_179, %parallel_loop3A_181 : vector<16xf32>
          %parallel_loop3A_183 = arith.fptosi %parallel_loop3A_182 : vector<16xf32> to vector<16xi32>
          %parallel_loop3A_184 = arith.sitofp %parallel_loop3A_183 : vector<16xi32> to vector<16xf32>
          %parallel_loop3A_185 = arith.constant 4 : i32
          %parallel_loop3A_186 = vector.broadcast %parallel_loop3A_185 : i32 to vector<16xi32>
          %parallel_loop3A_187 = arith.shli %parallel_loop3A_183, %parallel_loop3A_186 : vector<16xi32>
          %parallel_loop3A_188 = arith.cmpf olt, %parallel_loop3A_184, %parallel_loop3A_182 : vector<16xf32>
          %parallel_loop3A_189 = arith.select %parallel_loop3A_188, %add3A_8, %add3A_5 : vector<16xi1>, vector<16xi32>
          %parallel_loop3A_190 = arith.addi %parallel_loop3A_187, %parallel_loop3A_189 : vector<16xi32>
          tpu.vector_store_idx %arg9[%parallel_loop3A_190], %broadcast_in_dim3A_11 {add = true} : memref<352xf32, #tpu.memory_space<vmem>>[vector<16xi32>], vector<16xf32>,
        } {sc.loop_unroll_factor = 8 : i64, sc.parallel_access}
        %parallel_loop3A_161 = arith.constant 113 : i32
        %parallel_loop3A_162 = arith.constant 128 : i32
        %parallel_loop3A_163 = arith.constant 1 : i32
        scf.for %parallel_loop3A_173 = %parallel_loop3A_161 to %parallel_loop3A_162 step %parallel_loop3A_163  : i32 {
          %parallel_loop3A_174 = vector.broadcast %parallel_loop3A_173 : i32 to vector<16xi32>
          %parallel_loop3A_175 = arith.addi %iota3A, %parallel_loop3A_174 : vector<16xi32>
          %parallel_loop3A_176 = tpu.vector_load_idx %arg6[%add3A_158, %parallel_loop3A_175] : memref<64x200xf32, #tpu.memory_space<vmem>>[vector<16xi32>, vector<16xi32>], vector<16xf32>,
          %parallel_loop3A_177 = arith.constant 1.000000e+01 : f32
          %parallel_loop3A_178 = vector.broadcast %parallel_loop3A_177 : f32 to vector<16xf32>
          %parallel_loop3A_179 = arith.mulf %parallel_loop3A_176, %parallel_loop3A_178 : vector<16xf32>
          %parallel_loop3A_180 = arith.fptosi %parallel_loop3A_179 : vector<16xf32> to vector<16xi32>
          %parallel_loop3A_181 = arith.sitofp %parallel_loop3A_180 : vector<16xi32> to vector<16xf32>
          %parallel_loop3A_182 = arith.constant 4 : i32
          %parallel_loop3A_183 = vector.broadcast %parallel_loop3A_182 : i32 to vector<16xi32>
          %parallel_loop3A_184 = arith.shli %parallel_loop3A_180, %parallel_loop3A_183 : vector<16xi32>
          %parallel_loop3A_185 = arith.cmpf olt, %parallel_loop3A_181, %parallel_loop3A_179 : vector<16xf32>
          %parallel_loop3A_186 = arith.select %parallel_loop3A_185, %add3A_8, %add3A_5 : vector<16xi1>, vector<16xi32>
          %parallel_loop3A_187 = arith.addi %parallel_loop3A_184, %parallel_loop3A_186 : vector<16xi32>
          tpu.vector_store_idx %arg9[%parallel_loop3A_187], %broadcast_in_dim3A_11 {add = true} : memref<352xf32, #tpu.memory_space<vmem>>[vector<16xi32>], vector<16xf32>,
        } {sc.loop_unroll_factor = 5 : i64, sc.parallel_access}
        %parallel_loop3A_164 = arith.constant 128 : i32
        %parallel_loop3A_165 = arith.constant 185 : i32
        %parallel_loop3A_166 = arith.constant 1 : i32
        scf.for %parallel_loop3A_173 = %parallel_loop3A_164 to %parallel_loop3A_165 step %parallel_loop3A_166  : i32 {
          %parallel_loop3A_174 = vector.broadcast %parallel_loop3A_173 : i32 to vector<16xi32>
          %parallel_loop3A_175 = arith.addi %sub3A_10, %parallel_loop3A_174 : vector<16xi32>
          %parallel_loop3A_176 = arith.constant 127 : i32
          %parallel_loop3A_177 = vector.broadcast %parallel_loop3A_176 : i32 to vector<16xi32>
          %parallel_loop3A_178 = arith.andi %parallel_loop3A_175, %parallel_loop3A_177 : vector<16xi32>
          %parallel_loop3A_179 = arith.constant 128 : i32
          %parallel_loop3A_180 = vector.broadcast %parallel_loop3A_179 : i32 to vector<16xi32>
          %parallel_loop3A_181 = arith.addi %parallel_loop3A_178, %parallel_loop3A_180 : vector<16xi32>
          %parallel_loop3A_182 = tpu.vector_load_idx %arg6[%add3A_158, %parallel_loop3A_181] : memref<64x200xf32, #tpu.memory_space<vmem>>[vector<16xi32>, vector<16xi32>], vector<16xf32>,
          %parallel_loop3A_183 = arith.constant 1.000000e+01 : f32
          %parallel_loop3A_184 = vector.broadcast %parallel_loop3A_183 : f32 to vector<16xf32>
          %parallel_loop3A_185 = arith.mulf %parallel_loop3A_182, %parallel_loop3A_184 : vector<16xf32>
          %parallel_loop3A_186 = arith.fptosi %parallel_loop3A_185 : vector<16xf32> to vector<16xi32>
          %parallel_loop3A_187 = arith.sitofp %parallel_loop3A_186 : vector<16xi32> to vector<16xf32>
          %parallel_loop3A_188 = arith.constant 4 : i32
          %parallel_loop3A_189 = vector.broadcast %parallel_loop3A_188 : i32 to vector<16xi32>
          %parallel_loop3A_190 = arith.shli %parallel_loop3A_186, %parallel_loop3A_189 : vector<16xi32>
          %parallel_loop3A_191 = arith.cmpf olt, %parallel_loop3A_187, %parallel_loop3A_185 : vector<16xf32>
          %parallel_loop3A_192 = arith.select %parallel_loop3A_191, %add3A_8, %add3A_5 : vector<16xi1>, vector<16xi32>
          %parallel_loop3A_193 = arith.addi %parallel_loop3A_190, %parallel_loop3A_192 : vector<16xi32>
          tpu.vector_store_idx %arg9[%parallel_loop3A_193], %broadcast_in_dim3A_11 {add = true} : memref<352xf32, #tpu.memory_space<vmem>>[vector<16xi32>], vector<16xf32>,
        } {sc.loop_unroll_factor = 8 : i64, sc.parallel_access}
        %parallel_loop3A_167 = arith.constant 185 : i32
        %parallel_loop3A_168 = arith.constant 200 : i32
        %parallel_loop3A_169 = arith.constant 1 : i32
        scf.for %parallel_loop3A_173 = %parallel_loop3A_167 to %parallel_loop3A_168 step %parallel_loop3A_169  : i32 {
          %parallel_loop3A_174 = vector.broadcast %parallel_loop3A_173 : i32 to vector<16xi32>
          %parallel_loop3A_175 = arith.addi %iota3A, %parallel_loop3A_174 : vector<16xi32>
          %parallel_loop3A_176 = arith.constant 200 : i32
          %parallel_loop3A_177 = vector.broadcast %parallel_loop3A_176 : i32 to vector<16xi32>
          %parallel_loop3A_178 = arith.cmpi sge, %parallel_loop3A_175, %parallel_loop3A_177 : vector<16xi32>
          %parallel_loop3A_179 = arith.constant 200 : i32
          %parallel_loop3A_180 = vector.broadcast %parallel_loop3A_179 : i32 to vector<16xi32>
          %parallel_loop3A_181 = arith.subi %parallel_loop3A_175, %parallel_loop3A_180 : vector<16xi32>
          %parallel_loop3A_182 = arith.select %parallel_loop3A_178, %parallel_loop3A_181, %parallel_loop3A_175 : vector<16xi1>, vector<16xi32>
          %parallel_loop3A_183 = tpu.vector_load_idx %arg6[%add3A_158, %parallel_loop3A_182] : memref<64x200xf32, #tpu.memory_space<vmem>>[vector<16xi32>, vector<16xi32>], vector<16xf32>,
          %parallel_loop3A_184 = arith.constant 1.000000e+01 : f32
          %parallel_loop3A_185 = vector.broadcast %parallel_loop3A_184 : f32 to vector<16xf32>
          %parallel_loop3A_186 = arith.mulf %parallel_loop3A_183, %parallel_loop3A_185 : vector<16xf32>
          %parallel_loop3A_187 = arith.fptosi %parallel_loop3A_186 : vector<16xf32> to vector<16xi32>
          %parallel_loop3A_188 = arith.sitofp %parallel_loop3A_187 : vector<16xi32> to vector<16xf32>
          %parallel_loop3A_189 = arith.constant 4 : i32
          %parallel_loop3A_190 = vector.broadcast %parallel_loop3A_189 : i32 to vector<16xi32>
          %parallel_loop3A_191 = arith.shli %parallel_loop3A_187, %parallel_loop3A_190 : vector<16xi32>
          %parallel_loop3A_192 = arith.cmpf olt, %parallel_loop3A_188, %parallel_loop3A_186 : vector<16xf32>
          %parallel_loop3A_193 = arith.select %parallel_loop3A_192, %add3A_8, %add3A_5 : vector<16xi1>, vector<16xi32>
          %parallel_loop3A_194 = arith.addi %parallel_loop3A_191, %parallel_loop3A_193 : vector<16xi32>
          tpu.vector_store_idx %arg9[%parallel_loop3A_194], %broadcast_in_dim3A_11 {add = true} : memref<352xf32, #tpu.memory_space<vmem>>[vector<16xi32>], vector<16xf32>,
        } {sc.loop_unroll_factor = 5 : i64, sc.parallel_access}
        %parallel_loop3A_170 = arith.constant 0 : i32
        %parallel_loop3A_171 = arith.constant 22 : i32
        %parallel_loop3A_172 = arith.constant 1 : i32
        scf.for %parallel_loop3A_173 = %parallel_loop3A_170 to %parallel_loop3A_171 step %parallel_loop3A_172  : i32 {
          %parallel_loop3A_174 = arith.constant 16 : i32
          %parallel_loop3A_175 = arith.muli %parallel_loop3A_173, %parallel_loop3A_174 : i32
          %parallel_loop3A_176 = arith.index_cast %parallel_loop3A_175 : i32 to index
          %parallel_loop3A_177 = tpu.vector_load %arg9[%parallel_loop3A_176] {strides = array<i32>} : memref<352xf32, #tpu.memory_space<vmem>>, vector<16xf32>,
          %parallel_loop3A_178 = arith.fptosi %parallel_loop3A_177 : vector<16xf32> to vector<16xi32>
          %parallel_loop3A_179 = arith.constant 1024 : i32
          %parallel_loop3A_180 = arith.muli %parallel_loop3A_173, %parallel_loop3A_179 : i32
          %parallel_loop3A_181 = arith.constant 0 : i32
          %parallel_loop3A_182 = arith.addi %parallel_loop3A_180, %parallel_loop3A_181 : i32
          %parallel_loop3A_183 = vector.broadcast %parallel_loop3A_182 : i32 to vector<16xi32>
          %parallel_loop3A_184 = arith.addi %parallel_loop3A_178, %parallel_loop3A_183 : vector<16xi32>
          %parallel_loop3A_185 = tpu.vector_load_idx %arg10[%parallel_loop3A_184] : memref<22528xf32, #tpu.memory_space<vmem>>[vector<16xi32>], vector<16xf32>,
          %parallel_loop3A_186 = arith.constant 4 : i32
          %parallel_loop3A_187 = arith.muli %parallel_loop3A_186, %parallel_loop3A_173 : i32
          %parallel_loop3A_188 = arith.constant 0 : i32
          %parallel_loop3A_189 = arith.addi %parallel_loop3A_187, %parallel_loop3A_188 : i32
          %parallel_loop3A_190 = vector.broadcast %parallel_loop3A_189 : i32 to vector<16xi32>
          tpu.vector_store_idx %arg8[%add3A_158, %parallel_loop3A_190], %parallel_loop3A_185 : memref<64x88xf32, #tpu.memory_space<vmem>>[vector<16xi32>, vector<16xi32>], vector<16xf32>,
          %parallel_loop3A_191 = arith.constant 1024 : i32
          %parallel_loop3A_192 = arith.muli %parallel_loop3A_173, %parallel_loop3A_191 : i32
          %parallel_loop3A_193 = arith.constant 256 : i32
          %parallel_loop3A_194 = arith.addi %parallel_loop3A_192, %parallel_loop3A_193 : i32
          %parallel_loop3A_195 = vector.broadcast %parallel_loop3A_194 : i32 to vector<16xi32>
          %parallel_loop3A_196 = arith.addi %parallel_loop3A_178, %parallel_loop3A_195 : vector<16xi32>
          %parallel_loop3A_197 = tpu.vector_load_idx %arg10[%parallel_loop3A_196] : memref<22528xf32, #tpu.memory_space<vmem>>[vector<16xi32>], vector<16xf32>,
          %parallel_loop3A_198 = arith.constant 4 : i32
          %parallel_loop3A_199 = arith.muli %parallel_loop3A_198, %parallel_loop3A_173 : i32
          %parallel_loop3A_200 = arith.constant 1 : i32
          %parallel_loop3A_201 = arith.addi %parallel_loop3A_199, %parallel_loop3A_200 : i32
          %parallel_loop3A_202 = vector.broadcast %parallel_loop3A_201 : i32 to vector<16xi32>
          tpu.vector_store_idx %arg8[%add3A_158, %parallel_loop3A_202], %parallel_loop3A_197 : memref<64x88xf32, #tpu.memory_space<vmem>>[vector<16xi32>, vector<16xi32>], vector<16xf32>,
          %parallel_loop3A_203 = arith.constant 1024 : i32
          %parallel_loop3A_204 = arith.muli %parallel_loop3A_173, %parallel_loop3A_203 : i32
          %parallel_loop3A_205 = arith.constant 512 : i32
          %parallel_loop3A_206 = arith.addi %parallel_loop3A_204, %parallel_loop3A_205 : i32
          %parallel_loop3A_207 = vector.broadcast %parallel_loop3A_206 : i32 to vector<16xi32>
          %parallel_loop3A_208 = arith.addi %parallel_loop3A_178, %parallel_loop3A_207 : vector<16xi32>
          %parallel_loop3A_209 = tpu.vector_load_idx %arg10[%parallel_loop3A_208] : memref<22528xf32, #tpu.memory_space<vmem>>[vector<16xi32>], vector<16xf32>,
          %parallel_loop3A_210 = arith.constant 4 : i32
          %parallel_loop3A_211 = arith.muli %parallel_loop3A_210, %parallel_loop3A_173 : i32
          %parallel_loop3A_212 = arith.constant 2 : i32
          %parallel_loop3A_213 = arith.addi %parallel_loop3A_211, %parallel_loop3A_212 : i32
          %parallel_loop3A_214 = vector.broadcast %parallel_loop3A_213 : i32 to vector<16xi32>
          tpu.vector_store_idx %arg8[%add3A_158, %parallel_loop3A_214], %parallel_loop3A_209 : memref<64x88xf32, #tpu.memory_space<vmem>>[vector<16xi32>, vector<16xi32>], vector<16xf32>,
          %parallel_loop3A_215 = arith.constant 1024 : i32
          %parallel_loop3A_216 = arith.muli %parallel_loop3A_173, %parallel_loop3A_215 : i32
          %parallel_loop3A_217 = arith.constant 768 : i32
          %parallel_loop3A_218 = arith.addi %parallel_loop3A_216, %parallel_loop3A_217 : i32
          %parallel_loop3A_219 = vector.broadcast %parallel_loop3A_218 : i32 to vector<16xi32>
          %parallel_loop3A_220 = arith.addi %parallel_loop3A_178, %parallel_loop3A_219 : vector<16xi32>
          %parallel_loop3A_221 = tpu.vector_load_idx %arg10[%parallel_loop3A_220] : memref<22528xf32, #tpu.memory_space<vmem>>[vector<16xi32>], vector<16xf32>,
          %parallel_loop3A_222 = arith.constant 4 : i32
          %parallel_loop3A_223 = arith.muli %parallel_loop3A_222, %parallel_loop3A_173 : i32
          %parallel_loop3A_224 = arith.constant 3 : i32
          %parallel_loop3A_225 = arith.addi %parallel_loop3A_223, %parallel_loop3A_224 : i32
          %parallel_loop3A_226 = vector.broadcast %parallel_loop3A_225 : i32 to vector<16xi32>
          tpu.vector_store_idx %arg8[%add3A_158, %parallel_loop3A_226], %parallel_loop3A_221 : memref<64x88xf32, #tpu.memory_space<vmem>>[vector<16xi32>, vector<16xi32>], vector<16xf32>,
        } {sc.loop_unroll_factor = 2 : i64, sc.parallel_access}
      }
      %scan3A_92 = arith.constant 4 : i32
      %add3A_93 = arith.constant 2 : i32
      %add3A_94 = arith.addi %add3A_75, %add3A_93 : i32
      %lt3A_95 = arith.constant 8 : i32
      %lt3A_96 = arith.cmpi slt, %add3A_94, %lt3A_95 : i32
      %convert_element_type3A_97 = arith.extui %lt3A_96 : i1 to i32
      %cond3A_98 = arith.constant 0 : i32
      %cond3A_99 = arith.cmpi ne, %convert_element_type3A_97, %cond3A_98 : i32
      scf.if %cond3A_99 {
        %add3A_107 = arith.constant 2 : i32
        %add3A_108 = arith.addi %add3A_75, %add3A_107 : i32
        %mul3A_109 = arith.constant 64 : i32
        %mul3A_110 = arith.muli %add3A_108, %mul3A_109 : i32
        %add3A_111 = arith.addi %mul3A_2, %mul3A_110 : i32
        %dma_start3A_112 = arith.constant 0 : i32
        %dma_start3A_113 = tpu.memref_slice %arg2[%add3A_111, %dma_start3A_112] : memref<16384x200xf32, #tpu.memory_space<hbm>> -> memref<64x200xf32, #tpu.memory_space<hbm>>
        %dma_start3A_114 = arith.constant 0 : i32
        %dma_start3A_115 = tpu.memref_slice %arg2[%add3A_111, %dma_start3A_114] : memref<16384x200xf32, #tpu.memory_space<hbm>> -> memref<64x200xf32, #tpu.memory_space<hbm>>
        tpu.enqueue_dma source(%dma_start3A_115 : memref<64x200xf32, #tpu.memory_space<hbm>>) target(%arg6 : memref<64x200xf32, #tpu.memory_space<vmem>>) target_semaphore(%arg12 : memref<!tpu.dma_semaphore, #tpu.memory_space<semaphore_mem>>)
      } else {
      }
      %mul3A_100 = arith.constant 64 : i32
      %mul3A_101 = arith.muli %add3A_75, %mul3A_100 : i32
      %add3A_102 = arith.addi %mul3A_2, %mul3A_101 : i32
      %dma_start3A_103 = arith.constant 0 : i32
      %dma_start3A_104 = tpu.memref_slice %arg4[%add3A_102, %dma_start3A_103] : memref<16384x88xf32, #tpu.memory_space<hbm>> -> memref<64x88xf32, #tpu.memory_space<hbm>>
      %dma_start3A_105 = arith.constant 0 : i32
      %dma_start3A_106 = tpu.memref_slice %arg4[%add3A_102, %dma_start3A_105] : memref<16384x88xf32, #tpu.memory_space<hbm>> -> memref<64x88xf32, #tpu.memory_space<hbm>>
      tpu.enqueue_dma source(%arg8 : memref<64x88xf32, #tpu.memory_space<vmem>>) target(%dma_start3A_106 : memref<64x88xf32, #tpu.memory_space<hbm>>) target_semaphore(%arg14 : memref<!tpu.dma_semaphore, #tpu.memory_space<semaphore_mem>>)
    }
    %scan3A_28 = arith.constant 4 : i32
    %add3A_29 = arith.constant 384 : i32
    %add3A_30 = arith.addi %mul3A_2, %add3A_29 : i32
    %dma_wait3A = arith.constant 0 : i32
    %dma_wait3A_31 = tpu.memref_slice %arg4[%add3A_30, %dma_wait3A] : memref<16384x88xf32, #tpu.memory_space<hbm>> -> memref<64x88xf32, #tpu.memory_space<hbm>>
    %dma_wait3A_32 = arith.constant 0 : i32
    %dma_wait3A_33 = tpu.memref_slice %arg4[%add3A_30, %dma_wait3A_32] : memref<16384x88xf32, #tpu.memory_space<hbm>> -> memref<64x88xf32, #tpu.memory_space<hbm>>
    tpu.wait_dma2 semaphore(%arg13 : memref<!tpu.dma_semaphore, #tpu.memory_space<semaphore_mem>>) src(%arg7 : memref<64x88xf32, #tpu.memory_space<vmem>>) dst(%dma_wait3A_33 : memref<64x88xf32, #tpu.memory_space<hbm>>)
    %add3A_34 = arith.constant 448 : i32
    %add3A_35 = arith.addi %mul3A_2, %add3A_34 : i32
    %dma_wait3A_36 = arith.constant 0 : i32
    %dma_wait3A_37 = tpu.memref_slice %arg4[%add3A_35, %dma_wait3A_36] : memref<16384x88xf32, #tpu.memory_space<hbm>> -> memref<64x88xf32, #tpu.memory_space<hbm>>
    %dma_wait3A_38 = arith.constant 0 : i32
    %dma_wait3A_39 = tpu.memref_slice %arg4[%add3A_35, %dma_wait3A_38] : memref<16384x88xf32, #tpu.memory_space<hbm>> -> memref<64x88xf32, #tpu.memory_space<hbm>>
    tpu.wait_dma2 semaphore(%arg14 : memref<!tpu.dma_semaphore, #tpu.memory_space<semaphore_mem>>) src(%arg8 : memref<64x88xf32, #tpu.memory_space<vmem>>) dst(%dma_wait3A_39 : memref<64x88xf32, #tpu.memory_space<hbm>>)
    return
  }
}

</mosaic_0001>

<sc_bundles>
// kernel: kernel.3.cloned.1.call-start
scs
__scs_entry_jumppad:
0x0: {  	(pc) =	sbr.rel $0x88, $3  }
0x1: {  	(tag) =	ssettag $0x0;
	lr =	simm.s32 $0x1  }
0x2: {  	[smem:$0x3F9F] =	sst lr;
	_ =	strace $0xD0000000  }
0x3: {  	_ = 	snop  }
0x4: {  	_ = 	snop  }
0x5: {  	_ = 	snop  }
0x6: {  	_ = 	snop  }
0x7: {  	_ = 	snop  }
__scs_overlays_trampoline_lowered:
0x8: {  	[smem:$0x3FAE] =	sst s0  }
0x9: {  	[smem:$0x3FAF] =	sst s1  }
0xa: {  	[smem:$0x3FB0] =	sst s2  }
0xb: {  	[smem:$0x3FB1] =	sst s3  }
0xc: {  	[smem:$0x3FB2] =	sst s4  }
0xd: {  	[smem:$0x3FB3] =	sst s5  }
0xe: {  	[smem:$0x3FB4] =	sst s6  }
0xf: {  	[smem:$0x3FB5] =	sst s7  }
0x10: {  	[smem:$0x3FB6] =	sst s8  }
0x11: {  	[smem:$0x3FB7] =	sst s9;
	s0 =	simm.s32 @!p0 $0x0  }
0x12: {  	s1 =	sld [smem:$0x3F9D];
	s0 =	simm.s32 @p0 $0x1  }
0x13: {  	[smem:$0x3FB8] =	sst s0;
	s0 =	simm.s32 @!p1 $0x0  }
0x14: {  	s2 =	sld [smem:$0x3F9C];
	s0 =	simm.s32 @p1 $0x1  }
0x15: {  	[smem:$0x3FB9] =	sst s0;
	s0 =	simm.s32 @!p2 $0x0  }
0x16: {  	s3 =	sld [smem:$0x3FDB];
	s0 =	simm.s32 @p2 $0x1  }
0x17: {  	s4 =	simm.s32 $0x1BF5;
	[smem:$0x3FBB] =	sst s0  }
0x18: {  	s0 =	sld [smem:$0x3F9E];
	_ =	swait.ge [sflag:s4], $0x0  }
0x19: {  	s7 =	sld [smem:$0x3F9F]  }
0x1a: {  	s8 =	sadd.s32 $0xFFFFE003, lr  }
0x1b: {  	s9 =	sadd.s32 $0xFFFFFEF7, lr;
	s5 =	simm.s32 $0xFFFFFFFF;
	p2 =	slt.u32 s8, $0xFFFFF086  }
0x1c: {  	p1 =	slt.u32 s9, $0xF7A;
	s5 =	simm.s32 @!p2 $0x0  }
0x1d: {  	s5 =	simm.s32 @p1 $0x1;
	p0 =	seq.s32 s7, s2  }
0x1e: {  	s7 =	smul.u32 @!p0 $0xF7A, s2;
	p2 =	seq.s32 @!p0 s5, $0x0  }
0x1f: {  	s9 =	smul.u32 $0xF7A, s1;
	s8 =	simm.s32 @!p0 $0x1BF5;
	p2 =	por !p2, p0  }
0x20: {  	[sflag:s8] =	ssyncset.s32 @!p0 $0xFFFFF086;
	s6 =	sadd.s32 @!p0 s3, s7;
	s7 =	simm.s32 @!p0 $0x108  }
0x21: {  	s3 =	sadd.s32 s3, s9;
	s6 =	sadd.s32 @!p0 $0x88, s6;
	s7 =	simm.s32 @p2 $0x1082  }
0x22: {  	[simem:s7], [sflag:s8] =	dma.local @!p0 [hbm:s6], $0xF7A  }
0x23: {  	s9 =	sor.u32 $0xD0000000, s2;
	s6 =	simm.s32 $0x108;
	_ =	swait.ge @!p0 [sflag:s8], $0x0  }
0x24: {  	s3 =	sadd.s32 $0x88, s3;
	s6 =	simm.s32 @!p1 $0x1082;
	[sflag:s4] =	ssyncset.s32 $0xFFFFF086  }
0x25: {  	[simem:s6], [sflag:s4] =	dma.local [hbm:s3], $0xF7A  }
0x26: {  	[smem:$0x3F9F] =	sst s1;
	(tag) =	ssettag s2;
	_ =	strace s9  }
0x27: {  	s1 =	sld [smem:$0x3FAF]  }
0x28: {  	s2 =	sld [smem:$0x3FB0]  }
0x29: {  	s4 =	sld [smem:$0x3FB2]  }
0x2a: {  	p0 =	seq.s32 s5, $0x0;
	s5 =	sld [smem:$0x3FB3]  }
0x2b: {  	s6 =	sld [smem:$0x3FB4]  }
0x2c: {  	s7 =	sld [smem:$0x3FB5]  }
0x2d: {  	s3 =	simm.s32 $0x108;
	s8 =	sld [smem:$0x3FB6]  }
0x2e: {  	s3 =	simm.s32 @!p0 $0x1082;
	s9 =	sld [smem:$0x3FB7]  }
0x2f: {  	lr =	sadd.s32 s0, s3;
	s0 =	sld [smem:$0x3FAE]  }
0x30: {  	s3 =	sld [smem:$0x3FB1]  }
0x31: {  	[smem:$0x3FBA] =	sst s10  }
0x32: {  	s10 =	sld [smem:$0x3FB8];
	_ =	sdelay $0x3  }
0x33: {  	p0 =	seq.s32 s10, $0x1;
	s10 =	sld [smem:$0x3FBA];
	_ =	sdelay $0x3  }
0x34: {  	[smem:$0x3FBA] =	sst s10  }
0x35: {  	s10 =	sld [smem:$0x3FB9];
	_ =	sdelay $0x3  }
0x36: {  	p1 =	seq.s32 s10, $0x1;
	s10 =	sld [smem:$0x3FBA];
	_ =	sdelay $0x3  }
0x37: {  	[smem:$0x3FBA] =	sst s10  }
0x38: {  	s10 =	sld [smem:$0x3FBB]  }
0x39: {  	_ = 	snop;
	(pc) =	sbr.ind lr, $3  }
0x3a: {  	_ = 	snop  }
0x3b: {  	_ = 	snop  }
0x3c: {  	p2 =	seq.s32 s10, $0x1;
	s10 =	sld [smem:$0x3FBA]  }
0x3d: {  	_ =	shalt  }
0x3e: {  	_ =	shalt  }
0x3f: {  	_ =	shalt  }
0x40: {  	_ =	shalt  }
0x41: {  	_ =	shalt  }
0x42: {  	_ =	shalt  }
0x43: {  	_ =	shalt  }
0x44: {  	_ =	shalt  }
0x45: {  	_ =	shalt  }
0x46: {  	_ =	shalt  }
0x47: {  	_ =	shalt  }
0x48: {  	_ =	shalt  }
0x49: {  	_ =	shalt  }
0x4a: {  	_ =	shalt  }
0x4b: {  	_ =	shalt  }
0x4c: {  	_ =	shalt  }
0x4d: {  	_ =	shalt  }
0x4e: {  	_ =	shalt  }
0x4f: {  	_ =	shalt  }
0x50: {  	_ =	shalt  }
0x51: {  	_ =	shalt  }
0x52: {  	_ =	shalt  }
0x53: {  	_ =	shalt  }
0x54: {  	_ =	shalt  }
0x55: {  	_ =	shalt  }
0x56: {  	_ =	shalt  }
0x57: {  	_ =	shalt  }
0x58: {  	_ =	shalt  }
0x59: {  	_ =	shalt  }
0x5a: {  	_ =	shalt  }
0x5b: {  	_ =	shalt  }
0x5c: {  	_ =	shalt  }
0x5d: {  	_ =	shalt  }
0x5e: {  	_ =	shalt  }
0x5f: {  	_ =	shalt  }
0x60: {  	_ =	shalt  }
0x61: {  	_ =	shalt  }
0x62: {  	_ =	shalt  }
0x63: {  	_ =	shalt  }
0x64: {  	_ =	shalt  }
0x65: {  	_ =	shalt  }
0x66: {  	_ =	shalt  }
0x67: {  	_ =	shalt  }
0x68: {  	_ =	shalt  }
0x69: {  	_ =	shalt  }
0x6a: {  	_ =	shalt  }
0x6b: {  	_ =	shalt  }
0x6c: {  	_ =	shalt  }
0x6d: {  	_ =	shalt  }
0x6e: {  	_ =	shalt  }
0x6f: {  	_ =	shalt  }
0x70: {  	_ =	shalt  }
0x71: {  	_ =	shalt  }
0x72: {  	_ =	shalt  }
0x73: {  	_ =	shalt  }
0x74: {  	_ =	shalt  }
0x75: {  	_ =	shalt  }
0x76: {  	_ =	shalt  }
0x77: {  	_ =	shalt  }
0x78: {  	_ =	shalt  }
0x79: {  	_ =	shalt  }
0x7a: {  	_ =	shalt  }
0x7b: {  	_ =	shalt  }
0x7c: {  	_ =	shalt  }
0x7d: {  	_ =	shalt  }
0x7e: {  	_ =	shalt  }
0x7f: {  	_ =	shalt  }
0x80: {  	_ =	shalt  }
0x81: {  	_ =	shalt  }
0x82: {  	_ =	shalt  }
0x83: {  	_ =	shalt  }
0x84: {  	_ =	shalt  }
0x85: {  	_ =	shalt  }
0x86: {  	_ =	shalt  }
0x87: {  	_ =	shalt  }
.Lfunc_end0:
.L_simem_size_0:
called_computation_lowered:
.L_overlay_start_0:
0x88: {  	s2 =	sld [smem:$0x3FD9]  }
0x89: {  	s3 =	sld [smem:$0x3FFE];
	_ =	sdelay $0x1  }
0x8a: {  	s1 =	srdreg.scid  }
0x8b: {  	s0 =	sand.u32 $0x1, s1  }
0x8c: {  	s17 =	sshll.u32 s0, $0xA;
	s2 =	sadd.s32 s3, s2  }
0x8d: {  	s2 =	sadd.s32 s2, s17  }
0x8e: {  	[smem:$0x3FC6] =	sst s2  }
0x8f: {  	_ = 	snop  }
0x90: {  	s2 =	sld [smem:$0x3FD0];
	(tm) =	ssettm $0x1  }
0x91: {  	s18 =	sld [smem:$0x3FFB];
	_ =	sdelay $0x3  }
0x92: {  	_ =	strace s18  }
0x93: {  	s3 =	sld [smem:$0x3FFC];
	_ =	sdelay $0x3  }
0x94: {  	_ =	strace s3  }
0x95: {  	s3 =	sld [smem:$0x3FFD];
	_ =	sdelay $0x3  }
0x96: {  	_ =	strace s3  }
0x97: {  	_ =	strace $0x8FFFFFFF  }
0x98: {  	s19 =	sld [smem:$0x3FDB];
	_ =	sdelay $0x1  }
0x99: {  	s4 =	simm.s32 $_scs_section_size  }
0x9a: {  	s5 =	simm.s32 $_size__tile_overlayer_lowered;
	s6 =	simm.s32 $_tile_overlayer_lowered  }
0x9b: {  	s22 =	simm.s32 $0x1BFF;
	s21 =	sshll.u32 s6, $0x1;
	s3 =	sadd.s32 s4, s19  }
0x9c: {  	s7 =	simm.s32 $0x0;
	s20 =	sshll.u32 s5, $0x1;
	s5 =	sadd.s32 s21, s3  }
0x9d: {  	[timem:s7], [sflag:s22] =	dma.local [hbm:s5], s20  }
0x9e: {  	_ =	swait.ge [sflag:s22], s20  }
0x9f: {  	s4 =	ssub.s32 $0x0, s20;
	[sflag:s22] =	ssyncset.done $0x0  }
0xa0: {  	[sflag:s22] =	ssyncadd.s32 s4;
	_ =	sdelay $0x1  }
0xa1: {  	s23 =	simm.s32 $0x1B8B  }
0xa2: {  	_ =	swait.ge [sflag:s23], $0x1  }
0xa3: {  	[sflag:s23] =	ssyncset.done $0x0  }
0xa4: {  	s25 =	simm.s32 $0x1B8E;
	s24 =	sld [smem:$0x3FFE];
	[sflag:s23] =	ssyncadd.s32 $0xFFFFFFFF  }
0xa5: {  	s26 =	simm.s32 $execute0_lowered;
	[smem:$0x3FD2] =	sst s25  }
0xa6: {  	s5 =	sshll.u32 s26, $0x1;
	_ =	strace $0x80000046;
	[dreg:$0x1] =	wrdreg $0xFFFFFFFF  }
0xa7: {  	s28 =	simm.s32 $_size_execute0_lowered;
	s3 =	sadd.s32 s3, s5;
	[dreg:$0x0] =	wrdreg $0x0  }
0xa8: {  	s5 =	sshll.u32 s28, $0x1;
	[dreg:$0x2] =	wrdreg s3  }
0xa9: {  	[dreg:$0x3] =	wrdreg s5  }
0xaa: {  	[dreg:$0x4] =	wrdreg $0xC0  }
0xab: {  	_ =	task [dreg:s7], $0x5FFFF  }
0xac: {  	[dreg:$0x1] =	wrdreg $0xFFFFFFFF  }
0xad: {  	[dreg:$0x0] =	wrdreg $0x60  }
0xae: {  	[dreg:$0x2] =	wrdreg s24  }
0xaf: {  	[dreg:$0x3] =	wrdreg s2  }
0xb0: {  	[dreg:$0x4] =	wrdreg $0x9  }
0xb1: {  	_ =	task.clear_ibuf [dreg:s7], $0x5FFFF;
	_ =	strace $0x90000046  }
0xb2: {  	s29 =	simm.s32 $0x9;
	_ =	strace $0x80000048  }
0xb3: {  	_ =	swait.ge [sflag:s29], $0x1  }
0xb4: {  	[sflag:s29] =	ssyncadd.s32 $0xFFFFFFFF  }
0xb5: {  	_ =	strace $0x90000048  }
0xb6: {  	_ =	sfence  }
0xb7: {  	s30 =	sld [smem:$0x0];
	_ =	sdelay $0x2  }
0xb8: {  	s31 =	sshll.u32 s1, $0xD;
	s1 =	sshrl.u32 s1, $0x2  }
0xb9: {  	s3 =	sand.u32 $0x4000, s31;
	s1 =	sadd.s32 s1, s30  }
0xba: {  	s0 =	sor.u32 s3, s0;
	s1 =	sshll.u32 s1, $0x11  }
0xbb: {  	s0 =	sor.u32 s1, s0  }
0xbc: {  	s0 =	sadd.s32 $0x8F2B, s0  }
0xbd: {  	[sflag:s0] =	ssyncadd.remote.s32 $0x1  }
0xbe: {  	_ =	sfence.sel $0xFFFF  }
0xbf: {  	[dreg:$0x0] =	wrdreg $0xFFFFFFFF;
	(pc) =	sbr.abs _section_cstart, $3  }
0xc0: {  	[dreg:$0x1] =	wrdreg $0xFFFFFFFF  }
0xc1: {  	_ =	task.clear_ibuf [dreg:s7], $0x2FFFF;
	_ =	strace $0x9FFFFFFF  }
0xc2: {  	(tm) =	ssettm $0x7FFFFFFF  }
0xc3: {  	_ =	shalt  }
tec
execute0_lowered:
.L_overlay_start_1:
0x0: {  	(tag) =	ssettag $0x1  }
0x1: {  	v0 =	vlaneseq.u32;
	v1 =	vimm.f32 $0.0e+00  }
0x2: {  	v5 =	vimm.s32 $0x3FF;
	vm0 =	vcmask $0x300;
	vm1 =	vcmask $0x704  }
0x3: {  	v6 =	vimm.s32 $0x7C7;
	vm2 =	vcmask $0xB08;
	vm4 =	vcmask $0xF0C  }
0x4: {  	vm5 =	vcmask $0x1310;
	vm6 =	vcmask $0x1714;
	vm7 =	vcmask $0x1B18  }
0x5: {  	vm8 =	vcmask $0x1F1C;
	v5 =	vsel vm0, $0x70, v5;
	v6 =	vsel vm0, $0x438, v6  }
0x6: {  	vm9 =	vcmask $0x2320;
	v5 =	vsel vm1, $0xF1, v5;
	v6 =	vsel vm1, $0x4B9, v6  }
0x7: {  	vm10 =	vcmask $0x2724;
	v5 =	vsel vm2, $0x172, v5;
	v6 =	vsel vm2, $0x53A, v6  }
0x8: {  	s0 =	rddreg [dreg:$0x0];
	s1 =	srdreg.scid;
	s3 =	simm.s32 $0x0;
	vm11 =	vcmask $0x2B28;
	v5 =	vsel vm4, $0x1F3, v5;
	v6 =	vsel vm4, $0x5BB, v6  }
0x9: {  	s2 =	stileid.u32;
	vm12 =	vcmask $0x2F2C;
	s11 =	simm.s32 $0xC180;
	s13 =	simm.s32 $0x4000;
	v5 =	vsel vm5, $0x274, v5;
	v6 =	vsel vm5, $0x63C, v6  }
0xa: {  	vm13 =	vcmask $0x3330;
	s14 =	simm.s32 $0x1;
	s15 =	simm.s32 $0xC000;
	s16 =	simm.s32 $0x8000;
	v5 =	vsel vm6, $0x2F5, v5;
	v6 =	vsel vm6, $0x6BD, v6  }
0xb: {  	vm14 =	vcmask $0x3734;
	s17 =	simm.s32 $0x2;
	s18 =	simm.s32 $0xA000;
	s20 =	simm.s32 $0x4;
	v5 =	vsel vm7, $0x376, v5;
	v6 =	vsel vm7, $0x73E, v6  }
0xc: {  	vm15 =	vcmask $0x3B38;
	s21 =	simm.s32 $0x0;
	s1 =	sand.u32 $0x1, s1;
	[smem:$0x7FF] =	sst s3;
	v5 =	vsel vm8, $0x3F7, v5;
	v6 =	vsel vm8, $0x7BF, v6  }
0xd: {  	v2 =	vand.u32 $0x7, v0;
	s2 =	sshll.u32 s2, $0xA;
	s4 =	sshll.u32 s1, $0x9;
	s1 =	ssub.s32 $0x2, s1;
	v5 =	vsel vm9, $0x78, v5;
	v6 =	vsel vm9, $0x440, v6  }
0xe: {  	v3 =	vor.u32 $0xA0, v0;
	_ =	strace $0x80000047;
	s2 =	sor.u32 s4, s2;
	s5 =	sshrl.u32 s1, $0x1;
	v5 =	vsel vm10, $0xF9, v5;
	v6 =	vsel vm10, $0x4C1, v6  }
0xf: {  	v4 =	vor.u32 $0xB0, v0;
	s4 =	sshll.u32 s2, $0x5;
	s2 =	sshll.u32 s2, $0x4;
	s1 =	ssub.s32 s1, s5;
	v5 =	vsel vm11, $0x17A, v5;
	v6 =	vsel vm11, $0x542, v6  }
0x10: {  	v9 =	vadd.s32 $0xFFFFFF38, v0;
	s4 =	sadd.s32 s4, s0;
	s0 =	sadd.s32 s2, s0;
	s1 =	smax.u32 s1, $0x1;
	v5 =	vsel vm12, $0x1FB, v5;
	v6 =	vsel vm12, $0x5C3, v6  }
0x11: {  	v2 =	vmul.u32 $0x80, v2;
	s30 =	sadd.s32 $0x400, s4;
	s31 =	sadd.s32 $0xC00, s4;
	[dreg:$0x5] =	wrdreg s1;
	v5 =	vsel vm13, $0x27C, v5;
	v8 =	vsel vm13, $0x644, v6  }
0x12: {  	s6 =	sadd.s32 $0x1400, s4;
	s7 =	sadd.s32 $0x80400, s0;
	[dreg:$0x3] =	wrdreg s30;
	v7 =	vsel vm14, $0x2FD, v5;
	v5 =	vimm.f32 $1.000000000e+00;
	v8 =	vsel vm14, $0x6C5, v8  }
0x13: {  	s8 =	sadd.s32 $0x1C00, s4;
	s10 =	sadd.s32 $0x80800, s0;
	[dreg:$0x4] =	wrdreg s31;
	v6 =	vsel vm15, $0x37E, v7;
	v7 =	vor.u32 $0x400, v2;
	v8 =	vsel vm15, $0x746, v8  }
.LBB2_1:
0x14: {  	s0 =	rddreg [dreg:$0x1];
	s29 =	simm.s32 $0x5  }
0x15: {  	[tilespmem:s11], [sflag:$0x5] =	stream.linear.gather [hbm4b:s0+s3], $0x5800, $0x38;
	[tilespmem:$0x11980] =	vst v63  }
0x16: {  	_ =	swait.ge [sflag:s29], $0x5800  }
0x17: {  	[sflag:s29] =	ssyncset.done $0x0  }
0x18: {  	s30 =	rddreg [dreg:$0x3];
	[sflag:s29] =	ssyncadd.s32 $0xFFFFA800  }
0x19: {  	[tilespmem:s3], [sflag:$0x1] =	stream.linear.gather [hbm4b:s30+s3], $0x4000, $0x38;
	[tilespmem:$0x11980] =	vst v63  }
0x1a: {  	s22 =	simm.s32 $0x0;
	s31 =	rddreg [dreg:$0x4]  }
0x1b: {  	[tilespmem:s13], [sflag:$0x2] =	stream.linear.gather [hbm4b:s31+s3], $0x4000, $0x38;
	[tilespmem:$0x11980] =	vst v63  }
.LBB2_2:
0x1c: {  	_ =	swait.ge [sflag:s14], $0x4000  }
0x1d: {  	p0 =	seq.s32 s22, $0x0;
	[sflag:s14] =	ssyncset.done $0x0  }
0x1e: {  	s0 =	simm.s32 @!p0 $0x3;
	[sflag:s14] =	ssyncadd.s32 $0xFFFFC000  }
0x1f: {  	_ =	swait.ge @!p0 [sflag:s0], $0x2000  }
0x20: {  	s23 =	sshll.u32 s22, $0xC;
	[sflag:s0] =	ssyncset.done @!p0 $0x0  }
0x21: {  	s24 =	simm.s32 $0x0;
	s25 =	simm.s32 $0x0;
	[sflag:s0] =	ssyncadd.s32 @!p0 $0xFFFFE000  }
.LBB2_3:
0x22: {  	[tilespmem:$0xC000] =	vst v1  }
0x23: {  	[tilespmem:$0xC010] =	vst v1  }
0x24: {  	[tilespmem:$0xC020] =	vst v1  }
0x25: {  	[tilespmem:$0xC030] =	vst v1  }
0x26: {  	[tilespmem:$0xC040] =	vst v1  }
0x27: {  	[tilespmem:$0xC050] =	vst v1  }
0x28: {  	[tilespmem:$0xC060] =	vst v1  }
0x29: {  	[tilespmem:$0xC070] =	vst v1  }
0x2a: {  	[tilespmem:$0xC080] =	vst v1  }
0x2b: {  	[tilespmem:$0xC090] =	vst v1  }
0x2c: {  	[tilespmem:$0xC0A0] =	vst v1  }
0x2d: {  	[tilespmem:$0xC0B0] =	vst v1  }
0x2e: {  	[tilespmem:$0xC0C0] =	vst v1;
	s0 =	sshll.u32 s25, $0x4  }
0x2f: {  	[tilespmem:$0xC0D0] =	vst v1;
	v10 =	vor.u32 s0, v0  }
0x30: {  	[tilespmem:$0xC0E0] =	vst v1;
	s26 =	simm.s32 $0x4;
	v11 =	vshll.u32 v10, $0x8  }
0x31: {  	[tilespmem:$0xC0F0] =	vst v1;
	v13 =	vadd.s32 s26, v0;
	v12 =	vand.u32 $0x3800, v11  }
0x32: {  	[tilespmem:$0xC100] =	vst v1;
	v14 =	vadd.s32 s24, v0;
	s28 =	simm.s32 $0x5;
	v13 =	vand.u32 $0x7F, v13;
	v11 =	vor.u32 v2, v12  }
0x33: {  	[tilespmem:$0xC110] =	vst v1;
	s29 =	simm.s32 $0x7;
	v15 =	vadd.s32 s28, v0;
	v14 =	vand.u32 $0x7F, v14;
	v13 =	vor.u32 v11, v13  }
0x34: {  	[tilespmem:$0xC120] =	vst v1;
	s1 =	simm.s32 $0x1;
	v16 =	vadd.s32 s29, v0;
	v15 =	vand.u32 $0x7F, v15;
	v14 =	vor.u32 v11, v14  }
0x35: {  	[tilespmem:$0xC130] =	vst v1;
	v17 =	vadd.s32 s1, v0;
	v16 =	vand.u32 $0x7F, v16;
	v15 =	vor.u32 v11, v15  }
0x36: {  	[tilespmem:$0xC140] =	vst v1;
	v17 =	vand.u32 $0x7F, v17;
	v16 =	vor.u32 v11, v16  }
0x37: {  	[tilespmem:$0xC150] =	vst v1;
	v17 =	vor.u32 v11, v17  }
0x38: {  	v13 =	vld.idx.msk [tilespmem:v13+s3+$0x0], $0xffff  }
0x39: {  	v14 =	vld.idx.msk [tilespmem:v14+s3+$0x0], $0xffff  }
0x3a: {  	v15 =	vld.idx.msk [tilespmem:v15+s3+$0x0], $0xffff  }
0x3b: {  	s2 =	simm.s32 $0x6;
	v16 =	vld.idx.msk [tilespmem:v16+s3+$0x0], $0xffff  }
0x3c: {  	s30 =	simm.s32 $0x2;
	v20 =	vadd.s32 s2, v0;
	v17 =	vld.idx.msk [tilespmem:v17+s3+$0x0], $0xffff  }
0x3d: {  	s31 =	simm.s32 $0x3;
	v18 =	vadd.s32 s30, v0;
	v20 =	vand.u32 $0x7F, v20  }
0x3e: {  	v19 =	vadd.s32 s31, v0;
	v18 =	vand.u32 $0x7F, v18;
	v20 =	vor.u32 v11, v20  }
0x3f: {  	v22 =	vor.u32 v11, v18;
	v18 =	vand.u32 $0x7F, v19;
	v13 =	vmul.f32 $1.000000000e+01, v13  }
0x40: {  	v23 =	vor.u32 v11, v18;
	v14 =	vmul.f32 $1.000000000e+01, v14;
	v21 =	vmul.f32 $1.000000000e+01, v15  }
0x41: {  	v25 =	vmul.f32 $1.000000000e+01, v16;
	v17 =	vmul.f32 $1.000000000e+01, v17  }
0x42: {  	v19 =	vtrunc.f32 v13;
	v15 =	vtrunc.f32 v14  }
0x43: {  	vm0 =	vgt.f32 v13, v19;
	v13 =	vcvt.f32.s32 v19;
	v19 =	vtrunc.f32 v21  }
0x44: {  	v24 =	vcvt.f32.s32 v15;
	v18 =	vsel vm0, v4, v3;
	vm0 =	vgt.f32 v14, v15;
	v15 =	vld.idx.msk [tilespmem:v20+s3+$0x0], $0xffff  }
0x45: {  	v16 =	vsel vm0, v4, v3;
	v13 =	vshll.u32 v13, $0x4;
	vm0 =	vgt.f32 v21, v19;
	v21 =	vld.idx.msk [tilespmem:v23+s3+$0x0], $0xffff  }
0x46: {  	v24 =	vshll.u32 v24, $0x4;
	v18 =	vadd.s32 v13, v18  }
0x47: {  	v14 =	vcvt.f32.s32 v19;
	v20 =	vld.idx.msk [tilespmem:v22+s3+$0x0], $0xffff;
	v13 =	vadd.s32 v24, v16;
	v16 =	vtrunc.f32 v17  }
0x48: {  	v23 =	vtrunc.f32 v25;
	v19 =	vcvt.f32.s32 v16;
	vm1 =	vgt.f32 v17, v16  }
0x49: {  	s26 =	simm.s32 $0x8;
	v17 =	vsel vm0, v4, v3;
	v16 =	vcvt.f32.s32 v23;
	vm0 =	vgt.f32 v25, v23  }
.LBB2_4:
0x4a: {  	v22 =	vadd.s32 s26, v0;
	s0 =	sadd.s32 $0x1, s26;
	s1 =	sadd.s32 $0x2, s26;
	s2 =	sadd.s32 $0x3, s26;
	v21 =	vmul.f32 $1.000000000e+01, v21;
	v15 =	vmul.f32 $1.000000000e+01, v15  }
0x4b: {  	s4 =	sadd.s32 $0x6, s26;
	v25 =	vsel vm1, v4, v3;
	v23 =	vadd.s32 s0, v0;
	v24 =	vadd.s32 s1, v0;
	s0 =	sadd.s32 $0x4, s26;
	s1 =	sadd.s32 $0x5, s26;
	[tilespmem:v18+s15+$0x0] =	vst.idx.add.f32.msk $0xffff, v5  }
0x4c: {  	p1 =	slt.u32 s26, $0x68;
	v20 =	vmul.f32 $1.000000000e+01, v20;
	v18 =	vadd.s32 s0, v0;
	v26 =	vadd.s32 s1, v0;
	s0 =	sadd.s32 $0x7, s26;
	s26 =	sadd.s32 $0x8, s26  }
0x4d: {  	v28 =	vtrunc.f32 v21;
	v26 =	vand.u32 $0x7F, v26;
	v27 =	vadd.s32 s0, v0  }
0x4e: {  	v22 =	vand.u32 $0x7F, v22;
	v18 =	vand.u32 $0x7F, v18;
	vm1 =	vgt.f32 v21, v28;
	[tilespmem:v13+s15+$0x0] =	vst.idx.add.f32.msk $0xffff, v5  }
0x4f: {  	v21 =	vcvt.f32.s32 v28;
	v13 =	vor.u32 v11, v18;
	v18 =	vand.u32 $0x7F, v27  }
0x50: {  	v19 =	vshll.u32 v19, $0x4;
	v22 =	vor.u32 v11, v22;
	v18 =	vor.u32 v11, v18  }
0x51: {  	v28 =	vadd.s32 s4, v0;
	v27 =	vadd.s32 s2, v0;
	v26 =	vor.u32 v11, v26  }
0x52: {  	v23 =	vand.u32 $0x7F, v23;
	v28 =	vand.u32 $0x7F, v28;
	v21 =	vshll.u32 v21, $0x4  }
0x53: {  	v14 =	vshll.u32 v14, $0x4;
	v29 =	vtrunc.f32 v15;
	v28 =	vor.u32 v11, v28  }
0x54: {  	v24 =	vand.u32 $0x7F, v24;
	v23 =	vor.u32 v11, v23;
	v30 =	vsel vm1, v4, v3;
	v13 =	vld.idx.msk [tilespmem:v13+s3+$0x0], $0xffff  }
0x55: {  	v31 =	vsel vm0, v4, v3;
	v16 =	vshll.u32 v16, $0x4;
	v24 =	vor.u32 v11, v24;
	v22 =	vld.idx.msk [tilespmem:v22+s3+$0x0], $0xffff  }
0x56: {  	v14 =	vadd.s32 v14, v17;
	v17 =	vcvt.f32.s32 v29;
	vm0 =	vgt.f32 v15, v29;
	v26 =	vld.idx.msk [tilespmem:v26+s3+$0x0], $0xffff  }
0x57: {  	v19 =	vadd.s32 v19, v25;
	v16 =	vadd.s32 v16, v31;
	v15 =	vtrunc.f32 v20  }
0x58: {  	v25 =	vand.u32 $0x7F, v27;
	v27 =	vcvt.f32.s32 v15;
	v17 =	vshll.u32 v17, $0x4;
	v18 =	vld.idx.msk [tilespmem:v18+s3+$0x0], $0xffff  }
0x59: {  	vm1 =	vgt.f32 v20, v15;
	v20 =	vsel vm0, v4, v3;
	v25 =	vor.u32 v11, v25;
	v23 =	vld.idx.msk [tilespmem:v23+s3+$0x0], $0xffff  }
0x5a: {  	v27 =	vshll.u32 v27, $0x4;
	v13 =	vmul.f32 $1.000000000e+01, v13;
	v15 =	vld.idx.msk [tilespmem:v28+s3+$0x0], $0xffff;
	v28 =	vadd.s32 v21, v30  }
0x5b: {  	v17 =	vadd.s32 v17, v20;
	v22 =	vmul.f32 $1.000000000e+01, v22;
	v21 =	vsel vm1, v4, v3;
	[tilespmem:v14+s15+$0x0] =	vst.idx.add.f32.msk $0xffff, v5  }
0x5c: {  	v14 =	vtrunc.f32 v13;
	v26 =	vmul.f32 $1.000000000e+01, v26;
	v27 =	vadd.s32 v27, v21;
	[tilespmem:v16+s15+$0x0] =	vst.idx.add.f32.msk $0xffff, v5  }
0x5d: {  	v16 =	vtrunc.f32 v22;
	v29 =	vcvt.f32.s32 v14;
	vm0 =	vgt.f32 v13, v14;
	[tilespmem:v19+s15+$0x0] =	vst.idx.add.f32.msk $0xffff, v5  }
0x5e: {  	v13 =	vsel vm0, v4, v3;
	v19 =	vtrunc.f32 v26;
	v21 =	vld.idx.msk [tilespmem:v25+s3+$0x0], $0xffff  }
0x5f: {  	v14 =	vcvt.f32.s32 v16;
	vm0 =	vgt.f32 v22, v16;
	v22 =	vmul.f32 $1.000000000e+01, v18;
	[tilespmem:v28+s15+$0x0] =	vst.idx.add.f32.msk $0xffff, v5  }
.Ltmp0:
0x60: {  	v16 =	vsel vm0, v4, v3;
	v23 =	vmul.f32 $1.000000000e+01, v23;
	v18 =	vshll.u32 v29, $0x4;
	v20 =	vld.idx.msk [tilespmem:v24+s3+$0x0], $0xffff;
	(pc) =	sbr.rel @p1 .LBB2_4-.Ltmp0, $4  }
0x61: {  	v18 =	vadd.s32 v18, v13;
	v24 =	vshll.u32 v14, $0x4;
	v14 =	vcvt.f32.s32 v19;
	[tilespmem:v27+s15+$0x0] =	vst.idx.add.f32.msk $0xffff, v5  }
0x62: {  	vm0 =	vgt.f32 v26, v19;
	v13 =	vadd.s32 v24, v16;
	v16 =	vtrunc.f32 v23;
	[tilespmem:v17+s15+$0x0] =	vst.idx.add.f32.msk $0xffff, v5  }
0x63: {  	v19 =	vcvt.f32.s32 v16;
	vm1 =	vgt.f32 v23, v16;
	v23 =	vtrunc.f32 v22  }
0x64: {  	v17 =	vsel vm0, v4, v3;
	v16 =	vcvt.f32.s32 v23;
	vm0 =	vgt.f32 v22, v23  }
0x65: {  	v21 =	vmul.f32 $1.000000000e+01, v21  }
0x66: {  	v14 =	vshll.u32 v14, $0x4;
	v22 =	vsel vm1, v4, v3;
	v15 =	vmul.f32 $1.000000000e+01, v15  }
0x67: {  	v20 =	vmul.f32 $1.000000000e+01, v20;
	v19 =	vshll.u32 v19, $0x4;
	v58 =	vsel vm0, v4, v3  }
0x68: {  	v14 =	vadd.s32 v14, v17;
	v16 =	vshll.u32 v16, $0x4;
	v19 =	vadd.s32 v19, v22  }
0x69: {  	v17 =	vtrunc.f32 v21;
	v59 =	vtrunc.f32 v20;
	v16 =	vadd.s32 v16, v58  }
0x6a: {  	v60 =	vtrunc.f32 v15;
	vm12 =	vgt.f32 v21, v17;
	v17 =	vcvt.f32.s32 v17  }
0x6b: {  	vm13 =	vgt.f32 v20, v59;
	v61 =	vcvt.f32.s32 v59;
	vm14 =	vgt.f32 v15, v60  }
0x6c: {  	v15 =	vcvt.f32.s32 v60;
	v62 =	vsel vm12, v4, v3;
	v17 =	vshll.u32 v17, $0x4  }
0x6d: {  	[tilespmem:v18+s15+$0x0] =	vst.idx.add.f32.msk $0xffff, v5;
	v63 =	vsel vm13, v4, v3;
	v18 =	vshll.u32 v61, $0x4;
	v17 =	vadd.s32 v17, v62  }
0x6e: {  	[tilespmem:v13+s15+$0x0] =	vst.idx.add.f32.msk $0xffff, v5;
	v13 =	vshll.u32 v15, $0x4;
	v15 =	vsel vm14, v4, v3;
	v18 =	vadd.s32 v18, v63  }
0x6f: {  	[tilespmem:v14+s15+$0x0] =	vst.idx.add.f32.msk $0xffff, v5;
	v13 =	vadd.s32 v13, v15  }
0x70: {  	v14 =	vor.u32 v6, v12;
	[tilespmem:v19+s15+$0x0] =	vst.idx.add.f32.msk $0xffff, v5  }
0x71: {  	[tilespmem:v16+s15+$0x0] =	vst.idx.add.f32.msk $0xffff, v5  }
0x72: {  	[tilespmem:v17+s15+$0x0] =	vst.idx.add.f32.msk $0xffff, v5  }
0x73: {  	[tilespmem:v18+s15+$0x0] =	vst.idx.add.f32.msk $0xffff, v5  }
0x74: {  	[tilespmem:v13+s15+$0x0] =	vst.idx.add.f32.msk $0xffff, v5  }
0x75: {  	v13 =	vld.idx.msk [tilespmem:v14+s3+$0x0], $0xffff;
	_ =	sdelay $0x4  }
0x76: {  	v13 =	vmul.f32 $1.000000000e+01, v13;
	_ =	sdelay $0x1  }
0x77: {  	v14 =	vtrunc.f32 v13  }
0x78: {  	v15 =	vcvt.f32.s32 v14  }
0x79: {  	vm15 =	vgt.f32 v13, v14  }
0x7a: {  	v14 =	vsel vm15, v4, v3;
	v13 =	vshll.u32 v15, $0x4  }
0x7b: {  	v13 =	vadd.s32 v13, v14;
	_ =	sdelay $0x3  }
0x7c: {  	s0 =	simm.s32 $0x71  }
0x7d: {  	s30 =	simm.s32 $0x75;
	[tilespmem:v13+s15+$0x0] =	vst.idx.add.f32.msk $0xffff, v5;
	v13 =	vadd.s32 s0, v0  }
0x7e: {  	v15 =	vadd.s32 s30, v0;
	v14 =	vshll.u32 v13, $0x3  }
0x7f: {  	v16 =	vshll.u32 v15, $0x3;
	v13 =	vand.u32 $0x7F, v13;
	v14 =	vand.u32 $0x400, v14  }
0x80: {  	v13 =	vor.u32 v14, v13;
	v14 =	vand.u32 $0xC00, v16  }
0x81: {  	v17 =	vadd.s32 v11, v14;
	v14 =	vor.u32 v11, v13  }
0x82: {  	s31 =	simm.s32 $0x74  }
0x83: {  	v15 =	vand.u32 $0x7F, v15;
	v16 =	vadd.s32 s31, v0  }
0x84: {  	s1 =	simm.s32 $0x73;
	v18 =	vshll.u32 v16, $0x3;
	v13 =	vor.u32 v15, v17  }
0x85: {  	s26 =	simm.s32 $0x76;
	s0 =	simm.s32 $0x72;
	v16 =	vand.u32 $0x7F, v16;
	v15 =	vadd.s32 s1, v0;
	v17 =	vand.u32 $0xC00, v18  }
.LBB2_6:
0x86: {  	p1 =	slt.u32 s26, $0x7B;
	v14 =	vld.idx.msk [tilespmem:v14+s3+$0x0], $0xffff;
	v18 =	vadd.s32 s0, v0;
	v19 =	vshll.u32 v15, $0x3;
	v17 =	vadd.s32 v11, v17  }
0x87: {  	v20 =	vshll.u32 v18, $0x3;
	v19 =	vand.u32 $0xC00, v19;
	v16 =	vor.u32 v16, v17  }
0x88: {  	v15 =	vand.u32 $0x7F, v15;
	v17 =	vand.u32 $0xC00, v20;
	v19 =	vadd.s32 v11, v19  }
0x89: {  	v18 =	vand.u32 $0x7F, v18;
	v17 =	vadd.s32 v11, v17;
	v15 =	vor.u32 v15, v19;
	v13 =	vld.idx.msk [tilespmem:v13+s3+$0x0], $0xffff  }
0x8a: {  	v17 =	vor.u32 v18, v17;
	_ =	sdelay $0x1  }
0x8b: {  	v14 =	vmul.f32 $1.000000000e+01, v14;
	v16 =	vld.idx.msk [tilespmem:v16+s3+$0x0], $0xffff;
	_ =	sdelay $0x1  }
0x8c: {  	v18 =	vtrunc.f32 v14;
	v15 =	vld.idx.msk [tilespmem:v15+s3+$0x0], $0xffff  }
0x8d: {  	v19 =	vadd.s32 s26, v0;
	v20 =	vcvt.f32.s32 v18;
	v13 =	vmul.f32 $1.000000000e+01, v13;
	v17 =	vld.idx.msk [tilespmem:v17+s3+$0x0], $0xffff  }
0x8e: {  	v21 =	vand.u32 $0x7F, v19;
	v19 =	vshll.u32 v19, $0x3;
	vm0 =	vgt.f32 v14, v18  }
0x8f: {  	v18 =	vsel vm0, v4, v3;
	v14 =	vshll.u32 v20, $0x4;
	v20 =	vtrunc.f32 v13  }
0x90: {  	v16 =	vmul.f32 $1.000000000e+01, v16;
	v22 =	vcvt.f32.s32 v20;
	vm0 =	vgt.f32 v13, v20  }
0x91: {  	v13 =	vand.u32 $0x400, v19;
	v18 =	vadd.s32 v14, v18;
	v14 =	vsel vm0, v4, v3  }
0x92: {  	v15 =	vmul.f32 $1.000000000e+01, v15;
	v19 =	vtrunc.f32 v16;
	v20 =	vshll.u32 v22, $0x4  }
0x93: {  	v17 =	vmul.f32 $1.000000000e+01, v17;
	v22 =	vcvt.f32.s32 v19;
	vm0 =	vgt.f32 v16, v19  }
0x94: {  	v20 =	vadd.s32 v20, v14;
	v16 =	vtrunc.f32 v15;
	v19 =	vsel vm0, v4, v3  }
0x95: {  	v14 =	vtrunc.f32 v17;
	v23 =	vcvt.f32.s32 v16;
	v22 =	vshll.u32 v22, $0x4  }
0x96: {  	vm0 =	vgt.f32 v15, v16;
	v24 =	vcvt.f32.s32 v14;
	v15 =	vadd.s32 v22, v19  }
0x97: {  	vm1 =	vgt.f32 v17, v14;
	v16 =	vsel vm0, v4, v3;
	v14 =	vshll.u32 v23, $0x4  }
0x98: {  	s0 =	sadd.s32 $0x4, s26;
	v19 =	vsel vm1, v4, v3;
	v17 =	vshll.u32 v24, $0x4;
	v16 =	vadd.s32 v14, v16  }
0x99: {  	v13 =	vor.u32 v13, v21;
	v21 =	vadd.s32 s0, v0;
	v19 =	vadd.s32 v17, v19  }
.Ltmp1:
0x9a: {  	v14 =	vor.u32 v11, v13;
	v13 =	vshll.u32 v21, $0x3;
	[tilespmem:v18+s15+$0x0] =	vst.idx.add.f32.msk $0xffff, v5;
	(pc) =	sbr.rel @p1 .LBB2_6-.Ltmp1, $4  }
0x9b: {  	s0 =	sadd.s32 $0x3, s26;
	v13 =	vand.u32 $0xC00, v13;
	[tilespmem:v20+s15+$0x0] =	vst.idx.add.f32.msk $0xffff, v5  }
0x9c: {  	v17 =	vadd.s32 s0, v0;
	v13 =	vadd.s32 v11, v13;
	v18 =	vand.u32 $0x7F, v21;
	[tilespmem:v15+s15+$0x0] =	vst.idx.add.f32.msk $0xffff, v5  }
0x9d: {  	s1 =	sadd.s32 $0x2, s26;
	v20 =	vshll.u32 v17, $0x3;
	v13 =	vor.u32 v18, v13;
	[tilespmem:v16+s15+$0x0] =	vst.idx.add.f32.msk $0xffff, v5  }
0x9e: {  	s0 =	sadd.s32 $0x1, s26;
	s26 =	sadd.s32 $0x5, s26;
	v15 =	vadd.s32 s1, v0;
	v16 =	vand.u32 $0x7F, v17;
	v17 =	vand.u32 $0xC00, v20;
	[tilespmem:v19+s15+$0x0] =	vst.idx.add.f32.msk $0xffff, v5  }
0x9f: {  	_ =	sdelay $0x3  }
0xa0: {  	v14 =	vld.idx.msk [tilespmem:v14+s3+$0x0], $0xffff;
	v18 =	vadd.s32 s0, v0;
	v19 =	vshll.u32 v15, $0x3;
	v17 =	vadd.s32 v11, v17  }
0xa1: {  	v20 =	vshll.u32 v18, $0x3;
	v19 =	vand.u32 $0xC00, v19;
	v16 =	vor.u32 v16, v17  }
0xa2: {  	v15 =	vand.u32 $0x7F, v15;
	v17 =	vand.u32 $0xC00, v20;
	v19 =	vadd.s32 v11, v19  }
0xa3: {  	v13 =	vld.idx.msk [tilespmem:v13+s3+$0x0], $0xffff;
	v18 =	vand.u32 $0x7F, v18;
	v17 =	vadd.s32 v11, v17;
	v15 =	vor.u32 v15, v19  }
0xa4: {  	v17 =	vor.u32 v18, v17  }
0xa5: {  	v14 =	vmul.f32 $1.000000000e+01, v14  }
0xa6: {  	v16 =	vld.idx.msk [tilespmem:v16+s3+$0x0], $0xffff  }
0xa7: {  	v18 =	vtrunc.f32 v14  }
0xa8: {  	v13 =	vmul.f32 $1.000000000e+01, v13;
	v15 =	vld.idx.msk [tilespmem:v15+s3+$0x0], $0xffff;
	v19 =	vcvt.f32.s32 v18  }
0xa9: {  	vm0 =	vgt.f32 v14, v18;
	v17 =	vld.idx.msk [tilespmem:v17+s3+$0x0], $0xffff  }
0xaa: {  	v18 =	vsel vm0, v4, v3;
	v14 =	vshll.u32 v19, $0x4;
	v19 =	vtrunc.f32 v13  }
0xab: {  	v16 =	vmul.f32 $1.000000000e+01, v16;
	v20 =	vcvt.f32.s32 v19;
	vm0 =	vgt.f32 v13, v19  }
0xac: {  	v13 =	vadd.s32 v14, v18;
	v14 =	vsel vm0, v4, v3  }
0xad: {  	v15 =	vmul.f32 $1.000000000e+01, v15;
	v18 =	vtrunc.f32 v16;
	v19 =	vshll.u32 v20, $0x4  }
0xae: {  	v17 =	vmul.f32 $1.000000000e+01, v17;
	v20 =	vcvt.f32.s32 v18;
	vm0 =	vgt.f32 v16, v18  }
0xaf: {  	v14 =	vadd.s32 v19, v14;
	v16 =	vtrunc.f32 v15;
	v18 =	vsel vm0, v4, v3  }
0xb0: {  	v19 =	vtrunc.f32 v17;
	v21 =	vcvt.f32.s32 v16;
	v20 =	vshll.u32 v20, $0x4  }
0xb1: {  	vm0 =	vgt.f32 v15, v16;
	v22 =	vcvt.f32.s32 v19;
	v15 =	vadd.s32 v20, v18  }
0xb2: {  	vm1 =	vgt.f32 v17, v19;
	v17 =	vsel vm0, v4, v3;
	v16 =	vshll.u32 v21, $0x4  }
0xb3: {  	s1 =	simm.s32 $0x84;
	v16 =	vadd.s32 v16, v17  }
0xb4: {  	v19 =	vsel vm1, v4, v3;
	v18 =	vshll.u32 v22, $0x4;
	[tilespmem:v14+s15+$0x0] =	vst.idx.add.f32.msk $0xffff, v5;
	v14 =	vadd.s32 s1, v0  }
0xb5: {  	s29 =	simm.s32 $0x81;
	[tilespmem:v13+s15+$0x0] =	vst.idx.add.f32.msk $0xffff, v5;
	v13 =	vor.u32 v7, v12;
	v17 =	vadd.s32 v18, v19;
	v14 =	vand.u32 $0x7F, v14  }
0xb6: {  	s19 =	simm.s32 $0x80;
	v18 =	vadd.s32 s29, v0;
	v14 =	vor.u32 v13, v14  }
0xb7: {  	s26 =	simm.s32 $0x85;
	v18 =	vand.u32 $0x7F, v18;
	[tilespmem:v15+s15+$0x0] =	vst.idx.add.f32.msk $0xffff, v5;
	v15 =	vadd.s32 s19, v0  }
0xb8: {  	v18 =	vor.u32 v13, v18;
	v15 =	vand.u32 $0x7F, v15;
	[tilespmem:v16+s15+$0x0] =	vst.idx.add.f32.msk $0xffff, v5;
	v16 =	vadd.s32 s26, v0  }
0xb9: {  	v15 =	vor.u32 v13, v15;
	v16 =	vand.u32 $0x7F, v16  }
0xba: {  	s28 =	simm.s32 $0x87;
	[tilespmem:v17+s15+$0x0] =	vst.idx.add.f32.msk $0xffff, v5;
	v16 =	vor.u32 v13, v16  }
0xbb: {  	v17 =	vadd.s32 s28, v0;
	v14 =	vld.idx.msk [tilespmem:v14+s3+$0x0], $0xffff  }
0xbc: {  	v17 =	vand.u32 $0x7F, v17  }
0xbd: {  	v17 =	vor.u32 v13, v17;
	v18 =	vld.idx.msk [tilespmem:v18+s3+$0x0], $0xffff  }
0xbe: {  	s30 =	simm.s32 $0x82;
	s31 =	simm.s32 $0x83;
	s2 =	simm.s32 $0x86;
	v15 =	vld.idx.msk [tilespmem:v15+s3+$0x0], $0xffff  }
0xbf: {  	v20 =	vadd.s32 s31, v0;
	v21 =	vadd.s32 s2, v0;
	v19 =	vadd.s32 s30, v0;
	v16 =	vld.idx.msk [tilespmem:v16+s3+$0x0], $0xffff  }
0xc0: {  	v21 =	vand.u32 $0x7F, v21;
	v19 =	vand.u32 $0x7F, v19;
	v14 =	vmul.f32 $1.000000000e+01, v14  }
0xc1: {  	v21 =	vor.u32 v13, v21;
	v23 =	vor.u32 v13, v19;
	v19 =	vand.u32 $0x7F, v20  }
0xc2: {  	v24 =	vor.u32 v13, v19;
	v17 =	vld.idx.msk [tilespmem:v17+s3+$0x0], $0xffff;
	v20 =	vtrunc.f32 v14  }
0xc3: {  	v15 =	vmul.f32 $1.000000000e+01, v15;
	vm0 =	vgt.f32 v14, v20;
	v14 =	vcvt.f32.s32 v20  }
0xc4: {  	v18 =	vmul.f32 $1.000000000e+01, v18;
	v22 =	vmul.f32 $1.000000000e+01, v16  }
0xc5: {  	v19 =	vsel vm0, v4, v3;
	v16 =	vtrunc.f32 v15;
	v14 =	vshll.u32 v14, $0x4  }
0xc6: {  	v25 =	vcvt.f32.s32 v16;
	vm0 =	vgt.f32 v15, v16;
	v16 =	vld.idx.msk [tilespmem:v21+s3+$0x0], $0xffff;
	v20 =	vtrunc.f32 v22  }
0xc7: {  	v26 =	vmul.f32 $1.000000000e+01, v17;
	v17 =	vsel vm0, v4, v3;
	vm0 =	vgt.f32 v22, v20;
	v22 =	vld.idx.msk [tilespmem:v24+s3+$0x0], $0xffff  }
0xc8: {  	v19 =	vadd.s32 v14, v19;
	v25 =	vshll.u32 v25, $0x4  }
0xc9: {  	v21 =	vld.idx.msk [tilespmem:v23+s3+$0x0], $0xffff;
	v15 =	vcvt.f32.s32 v20;
	v14 =	vadd.s32 v25, v17;
	v17 =	vtrunc.f32 v18  }
0xca: {  	v63 =	vtrunc.f32 v26;
	v20 =	vcvt.f32.s32 v17;
	vm1 =	vgt.f32 v18, v17  }
0xcb: {  	s26 =	simm.s32 $0x88;
	v18 =	vsel vm0, v4, v3;
	v17 =	vcvt.f32.s32 v63;
	vm0 =	vgt.f32 v26, v63  }
.LBB2_8:
0xcc: {  	v23 =	vadd.s32 s26, v0;
	s0 =	sadd.s32 $0x1, s26;
	s1 =	sadd.s32 $0x2, s26;
	s2 =	sadd.s32 $0x3, s26;
	v22 =	vmul.f32 $1.000000000e+01, v22;
	v16 =	vmul.f32 $1.000000000e+01, v16  }
0xcd: {  	s4 =	sadd.s32 $0x6, s26;
	v26 =	vsel vm1, v4, v3;
	v24 =	vadd.s32 s0, v0;
	v25 =	vadd.s32 s1, v0;
	s0 =	sadd.s32 $0x4, s26;
	s1 =	sadd.s32 $0x5, s26;
	[tilespmem:v19+s15+$0x0] =	vst.idx.add.f32.msk $0xffff, v5  }
0xce: {  	p1 =	slt.u32 s26, $0xB0;
	v21 =	vmul.f32 $1.000000000e+01, v21;
	v19 =	vadd.s32 s0, v0;
	v27 =	vadd.s32 s1, v0;
	s0 =	sadd.s32 $0x7, s26;
	s26 =	sadd.s32 $0x8, s26  }
0xcf: {  	v29 =	vtrunc.f32 v22;
	v27 =	vand.u32 $0x7F, v27;
	v28 =	vadd.s32 s0, v0  }
0xd0: {  	v23 =	vand.u32 $0x7F, v23;
	v19 =	vand.u32 $0x7F, v19;
	vm1 =	vgt.f32 v22, v29;
	[tilespmem:v14+s15+$0x0] =	vst.idx.add.f32.msk $0xffff, v5  }
0xd1: {  	v22 =	vcvt.f32.s32 v29;
	v14 =	vor.u32 v13, v19;
	v19 =	vand.u32 $0x7F, v28  }
0xd2: {  	v20 =	vshll.u32 v20, $0x4;
	v23 =	vor.u32 v13, v23;
	v19 =	vor.u32 v13, v19  }
0xd3: {  	v29 =	vadd.s32 s4, v0;
	v28 =	vadd.s32 s2, v0;
	v27 =	vor.u32 v13, v27  }
0xd4: {  	v24 =	vand.u32 $0x7F, v24;
	v29 =	vand.u32 $0x7F, v29;
	v22 =	vshll.u32 v22, $0x4  }
0xd5: {  	v15 =	vshll.u32 v15, $0x4;
	v30 =	vtrunc.f32 v16;
	v29 =	vor.u32 v13, v29  }
0xd6: {  	v25 =	vand.u32 $0x7F, v25;
	v24 =	vor.u32 v13, v24;
	v31 =	vsel vm1, v4, v3;
	v14 =	vld.idx.msk [tilespmem:v14+s3+$0x0], $0xffff  }
0xd7: {  	v32 =	vsel vm0, v4, v3;
	v17 =	vshll.u32 v17, $0x4;
	v25 =	vor.u32 v13, v25;
	v23 =	vld.idx.msk [tilespmem:v23+s3+$0x0], $0xffff  }
0xd8: {  	v15 =	vadd.s32 v15, v18;
	v18 =	vcvt.f32.s32 v30;
	vm0 =	vgt.f32 v16, v30;
	v27 =	vld.idx.msk [tilespmem:v27+s3+$0x0], $0xffff  }
0xd9: {  	v20 =	vadd.s32 v20, v26;
	v17 =	vadd.s32 v17, v32;
	v16 =	vtrunc.f32 v21  }
0xda: {  	v26 =	vand.u32 $0x7F, v28;
	v28 =	vcvt.f32.s32 v16;
	v18 =	vshll.u32 v18, $0x4;
	v19 =	vld.idx.msk [tilespmem:v19+s3+$0x0], $0xffff  }
0xdb: {  	vm1 =	vgt.f32 v21, v16;
	v21 =	vsel vm0, v4, v3;
	v26 =	vor.u32 v13, v26;
	v24 =	vld.idx.msk [tilespmem:v24+s3+$0x0], $0xffff  }
0xdc: {  	v28 =	vshll.u32 v28, $0x4;
	v14 =	vmul.f32 $1.000000000e+01, v14;
	v16 =	vld.idx.msk [tilespmem:v29+s3+$0x0], $0xffff;
	v29 =	vadd.s32 v22, v31  }
0xdd: {  	v18 =	vadd.s32 v18, v21;
	v23 =	vmul.f32 $1.000000000e+01, v23;
	v22 =	vsel vm1, v4, v3;
	[tilespmem:v15+s15+$0x0] =	vst.idx.add.f32.msk $0xffff, v5  }
0xde: {  	v15 =	vtrunc.f32 v14;
	v27 =	vmul.f32 $1.000000000e+01, v27;
	v28 =	vadd.s32 v28, v22;
	[tilespmem:v17+s15+$0x0] =	vst.idx.add.f32.msk $0xffff, v5  }
0xdf: {  	v17 =	vtrunc.f32 v23;
	v30 =	vcvt.f32.s32 v15;
	vm0 =	vgt.f32 v14, v15;
	[tilespmem:v20+s15+$0x0] =	vst.idx.add.f32.msk $0xffff, v5  }
0xe0: {  	v14 =	vsel vm0, v4, v3;
	v20 =	vtrunc.f32 v27;
	v22 =	vld.idx.msk [tilespmem:v26+s3+$0x0], $0xffff  }
0xe1: {  	v15 =	vcvt.f32.s32 v17;
	vm0 =	vgt.f32 v23, v17;
	v23 =	vmul.f32 $1.000000000e+01, v19;
	[tilespmem:v29+s15+$0x0] =	vst.idx.add.f32.msk $0xffff, v5  }
.Ltmp2:
0xe2: {  	v17 =	vsel vm0, v4, v3;
	v24 =	vmul.f32 $1.000000000e+01, v24;
	v19 =	vshll.u32 v30, $0x4;
	v21 =	vld.idx.msk [tilespmem:v25+s3+$0x0], $0xffff;
	(pc) =	sbr.rel @p1 .LBB2_8-.Ltmp2, $4  }
0xe3: {  	v19 =	vadd.s32 v19, v14;
	v25 =	vshll.u32 v15, $0x4;
	v15 =	vcvt.f32.s32 v20;
	[tilespmem:v28+s15+$0x0] =	vst.idx.add.f32.msk $0xffff, v5  }
0xe4: {  	vm0 =	vgt.f32 v27, v20;
	v14 =	vadd.s32 v25, v17;
	v17 =	vtrunc.f32 v24;
	[tilespmem:v18+s15+$0x0] =	vst.idx.add.f32.msk $0xffff, v5  }
0xe5: {  	v20 =	vcvt.f32.s32 v17;
	vm1 =	vgt.f32 v24, v17;
	v24 =	vtrunc.f32 v23  }
0xe6: {  	v18 =	vsel vm0, v4, v3;
	v17 =	vcvt.f32.s32 v24;
	vm0 =	vgt.f32 v23, v24  }
0xe7: {  	v13 =	vmul.f32 $1.000000000e+01, v22  }
0xe8: {  	v15 =	vshll.u32 v15, $0x4;
	v59 =	vsel vm1, v4, v3;
	v16 =	vmul.f32 $1.000000000e+01, v16  }
0xe9: {  	v20 =	vshll.u32 v20, $0x4;
	v60 =	vsel vm0, v4, v3;
	v15 =	vadd.s32 v15, v18  }
0xea: {  	v17 =	vshll.u32 v17, $0x4;
	v18 =	vtrunc.f32 v13;
	v62 =	vtrunc.f32 v16  }
0xeb: {  	vm9 =	vgt.f32 v13, v18;
	v13 =	vcvt.f32.s32 v18;
	v18 =	vmul.f32 $1.000000000e+01, v21  }
0xec: {  	v20 =	vadd.s32 v20, v59;
	v17 =	vadd.s32 v17, v60;
	vm11 =	vgt.f32 v16, v62  }
0xed: {  	v16 =	vcvt.f32.s32 v62;
	v63 =	vsel vm9, v4, v3;
	v61 =	vtrunc.f32 v18  }
0xee: {  	v13 =	vshll.u32 v13, $0x4;
	vm10 =	vgt.f32 v18, v61;
	v18 =	vcvt.f32.s32 v61  }
0xef: {  	[tilespmem:v14+s15+$0x0] =	vst.idx.add.f32.msk $0xffff, v5;
	v14 =	vshll.u32 v16, $0x4;
	v16 =	vsel vm11, v4, v3;
	v13 =	vadd.s32 v13, v63  }
0xf0: {  	[tilespmem:v19+s15+$0x0] =	vst.idx.add.f32.msk $0xffff, v5;
	v14 =	vadd.s32 v14, v16;
	v19 =	vsel vm10, v4, v3;
	v18 =	vshll.u32 v18, $0x4  }
0xf1: {  	[tilespmem:v15+s15+$0x0] =	vst.idx.add.f32.msk $0xffff, v5;
	v18 =	vadd.s32 v18, v19  }
0xf2: {  	v12 =	vor.u32 v8, v12;
	[tilespmem:v20+s15+$0x0] =	vst.idx.add.f32.msk $0xffff, v5  }
0xf3: {  	[tilespmem:v17+s15+$0x0] =	vst.idx.add.f32.msk $0xffff, v5  }
0xf4: {  	[tilespmem:v13+s15+$0x0] =	vst.idx.add.f32.msk $0xffff, v5  }
0xf5: {  	[tilespmem:v14+s15+$0x0] =	vst.idx.add.f32.msk $0xffff, v5  }
0xf6: {  	[tilespmem:v18+s15+$0x0] =	vst.idx.add.f32.msk $0xffff, v5  }
0xf7: {  	v12 =	vld.idx.msk [tilespmem:v12+s3+$0x0], $0xffff;
	_ =	sdelay $0x4  }
0xf8: {  	v12 =	vmul.f32 $1.000000000e+01, v12;
	_ =	sdelay $0x1  }
0xf9: {  	v13 =	vtrunc.f32 v12  }
0xfa: {  	v14 =	vcvt.f32.s32 v13  }
0xfb: {  	vm12 =	vgt.f32 v12, v13  }
0xfc: {  	v13 =	vsel vm12, v4, v3;
	v12 =	vshll.u32 v14, $0x4  }
0xfd: {  	v12 =	vadd.s32 v12, v13;
	_ =	sdelay $0x3  }
0xfe: {  	s0 =	simm.s32 $0xB9  }
0xff: {  	s1 =	simm.s32 $0xBC;
	[tilespmem:v12+s15+$0x0] =	vst.idx.add.f32.msk $0xffff, v5;
	v12 =	vadd.s32 s0, v0  }
0x100: {  	s31 =	simm.s32 $0xBD;
	v15 =	vadd.s32 s1, v0;
	v13 =	vadd.s32 s0, v9;
	vm13 =	vgt.u32 v12, $0xC7  }
0x101: {  	vm15 =	vgt.u32 v15, $0xC7;
	v12 =	vsel vm13, v13, v12;
	v13 =	vadd.s32 s31, v0  }
0x102: {  	v14 =	vadd.s32 s31, v9;
	vm14 =	vgt.u32 v13, $0xC7;
	v16 =	vshll.u32 v12, $0x3  }
0x103: {  	v13 =	vsel vm14, v14, v13;
	v14 =	vadd.s32 s1, v9;
	v16 =	vand.u32 $0xFFFFFC00, v16  }
0x104: {  	v12 =	vand.u32 $0x7F, v12;
	v14 =	vsel vm15, v14, v15;
	v16 =	vadd.s32 v11, v16  }
0x105: {  	v15 =	vshll.u32 v13, $0x3;
	v17 =	vand.u32 $0x7F, v13;
	v13 =	vor.u32 v12, v16  }
0x106: {  	s0 =	simm.s32 $0xBB;
	v15 =	vand.u32 $0xFFFFFC00, v15  }
0x107: {  	v18 =	vshll.u32 v14, $0x3;
	v16 =	vadd.s32 s0, v0;
	v15 =	vadd.s32 v11, v15  }
0x108: {  	s26 =	simm.s32 $0xBE;
	s1 =	simm.s32 $0xBA;
	v14 =	vand.u32 $0x7F, v14;
	v12 =	vor.u32 v17, v15;
	v15 =	vand.u32 $0xFFFFFC00, v18  }
.LBB2_10:
0x109: {  	p1 =	slt.u32 s26, $0xC3;
	v17 =	vadd.s32 s1, v0;
	vm0 =	vgt.u32 v16, $0xC7;
	v18 =	vadd.s32 s0, v9  }
0x10a: {  	v19 =	vadd.s32 s1, v9;
	v13 =	vld.idx.msk [tilespmem:v13+s3+$0x0], $0xffff;
	vm1 =	vgt.u32 v17, $0xC7;
	v16 =	vsel vm0, v18, v16  }
0x10b: {  	v15 =	vadd.s32 v11, v15;
	v17 =	vsel vm1, v19, v17;
	v18 =	vshll.u32 v16, $0x3  }
0x10c: {  	v14 =	vor.u32 v14, v15;
	v19 =	vshll.u32 v17, $0x3;
	v18 =	vand.u32 $0xFFFFFC00, v18  }
0x10d: {  	v16 =	vand.u32 $0x7F, v16;
	v15 =	vand.u32 $0xFFFFFC00, v19;
	v18 =	vadd.s32 v11, v18  }
0x10e: {  	v17 =	vand.u32 $0x7F, v17;
	v15 =	vadd.s32 v11, v15;
	v16 =	vor.u32 v16, v18;
	v12 =	vld.idx.msk [tilespmem:v12+s3+$0x0], $0xffff  }
0x10f: {  	v15 =	vor.u32 v17, v15  }
0x110: {  	v17 =	vadd.s32 s26, v0;
	v13 =	vmul.f32 $1.000000000e+01, v13  }
0x111: {  	v18 =	vadd.s32 s26, v9;
	vm0 =	vgt.u32 v17, $0xC7;
	v14 =	vld.idx.msk [tilespmem:v14+s3+$0x0], $0xffff  }
0x112: {  	v17 =	vsel vm0, v18, v17;
	v18 =	vtrunc.f32 v13  }
0x113: {  	v19 =	vand.u32 $0x7F, v17;
	v20 =	vcvt.f32.s32 v18;
	v16 =	vld.idx.msk [tilespmem:v16+s3+$0x0], $0xffff  }
0x114: {  	v17 =	vshll.u32 v17, $0x3;
	vm0 =	vgt.f32 v13, v18;
	v12 =	vmul.f32 $1.000000000e+01, v12;
	v13 =	vld.idx.msk [tilespmem:v15+s3+$0x0], $0xffff  }
0x115: {  	s0 =	sadd.s32 $0x4, s26;
	v18 =	vsel vm0, v4, v3;
	v15 =	vand.u32 $0xFFFFFC00, v17;
	v17 =	vshll.u32 v20, $0x4  }
0x116: {  	v20 =	vadd.s32 s0, v0;
	v17 =	vadd.s32 v17, v18;
	v18 =	vtrunc.f32 v12  }
0x117: {  	v14 =	vmul.f32 $1.000000000e+01, v14;
	v21 =	vcvt.f32.s32 v18;
	vm1 =	vgt.f32 v12, v18  }
0x118: {  	vm0 =	vgt.u32 v20, $0xC7;
	v12 =	vadd.s32 s0, v9;
	v18 =	vsel vm1, v4, v3  }
0x119: {  	v16 =	vmul.f32 $1.000000000e+01, v16;
	v22 =	vtrunc.f32 v14;
	v21 =	vshll.u32 v21, $0x4  }
0x11a: {  	v13 =	vmul.f32 $1.000000000e+01, v13;
	v23 =	vcvt.f32.s32 v22;
	vm1 =	vgt.f32 v14, v22  }
0x11b: {  	v18 =	vadd.s32 v21, v18;
	v14 =	vtrunc.f32 v16;
	v22 =	vsel vm1, v4, v3  }
0x11c: {  	v21 =	vtrunc.f32 v13;
	v24 =	vcvt.f32.s32 v14;
	v23 =	vshll.u32 v23, $0x4  }
0x11d: {  	vm1 =	vgt.f32 v16, v14;
	v25 =	vcvt.f32.s32 v21;
	v14 =	vadd.s32 v23, v22  }
0x11e: {  	vm2 =	vgt.f32 v13, v21;
	v16 =	vsel vm1, v4, v3;
	v13 =	vshll.u32 v24, $0x4  }
0x11f: {  	v22 =	vsel vm2, v4, v3;
	v21 =	vshll.u32 v25, $0x4;
	v16 =	vadd.s32 v13, v16  }
0x120: {  	s0 =	sadd.s32 $0x3, s26;
	v12 =	vsel vm0, v12, v20;
	v13 =	vadd.s32 v11, v15;
	v20 =	vadd.s32 v21, v22  }
.Ltmp3:
0x121: {  	v15 =	vadd.s32 s0, v0;
	v13 =	vor.u32 v19, v13;
	v19 =	vshll.u32 v12, $0x3;
	[tilespmem:v17+s15+$0x0] =	vst.idx.add.f32.msk $0xffff, v5;
	(pc) =	sbr.rel @p1 .LBB2_10-.Ltmp3, $4  }
0x122: {  	vm0 =	vgt.u32 v15, $0xC7;
	v19 =	vand.u32 $0xFFFFFC00, v19;
	v17 =	vadd.s32 s0, v9;
	[tilespmem:v18+s15+$0x0] =	vst.idx.add.f32.msk $0xffff, v5  }
0x123: {  	v12 =	vand.u32 $0x7F, v12;
	v15 =	vsel vm0, v17, v15;
	v17 =	vadd.s32 v11, v19;
	[tilespmem:v14+s15+$0x0] =	vst.idx.add.f32.msk $0xffff, v5  }
0x124: {  	s0 =	sadd.s32 $0x2, s26;
	v18 =	vshll.u32 v15, $0x3;
	v12 =	vor.u32 v12, v17;
	[tilespmem:v16+s15+$0x0] =	vst.idx.add.f32.msk $0xffff, v5  }
0x125: {  	s1 =	sadd.s32 $0x1, s26;
	s26 =	sadd.s32 $0x5, s26;
	v14 =	vand.u32 $0x7F, v15;
	v16 =	vadd.s32 s0, v0;
	v15 =	vand.u32 $0xFFFFFC00, v18;
	[tilespmem:v20+s15+$0x0] =	vst.idx.add.f32.msk $0xffff, v5  }
0x126: {  	_ =	sdelay $0x1  }
0x127: {  	v17 =	vadd.s32 s1, v0;
	vm0 =	vgt.u32 v16, $0xC7;
	v18 =	vadd.s32 s0, v9  }
0x128: {  	v19 =	vadd.s32 s1, v9;
	vm1 =	vgt.u32 v17, $0xC7;
	v16 =	vsel vm0, v18, v16  }
0x129: {  	v13 =	vld.idx.msk [tilespmem:v13+s3+$0x0], $0xffff;
	v15 =	vadd.s32 v11, v15;
	v17 =	vsel vm1, v19, v17;
	v18 =	vshll.u32 v16, $0x3  }
0x12a: {  	v14 =	vor.u32 v14, v15;
	v19 =	vshll.u32 v17, $0x3;
	v18 =	vand.u32 $0xFFFFFC00, v18  }
0x12b: {  	v16 =	vand.u32 $0x7F, v16;
	v15 =	vand.u32 $0xFFFFFC00, v19;
	v18 =	vadd.s32 v11, v18  }
0x12c: {  	v12 =	vld.idx.msk [tilespmem:v12+s3+$0x0], $0xffff;
	v17 =	vand.u32 $0x7F, v17;
	v11 =	vadd.s32 v11, v15;
	v15 =	vor.u32 v16, v18  }
0x12d: {  	v11 =	vor.u32 v17, v11  }
0x12e: {  	v13 =	vmul.f32 $1.000000000e+01, v13  }
0x12f: {  	v14 =	vld.idx.msk [tilespmem:v14+s3+$0x0], $0xffff  }
0x130: {  	v16 =	vtrunc.f32 v13  }
0x131: {  	v12 =	vmul.f32 $1.000000000e+01, v12;
	v17 =	vcvt.f32.s32 v16;
	v15 =	vld.idx.msk [tilespmem:v15+s3+$0x0], $0xffff  }
0x132: {  	vm11 =	vgt.f32 v13, v16;
	v11 =	vld.idx.msk [tilespmem:v11+s3+$0x0], $0xffff  }
0x133: {  	v16 =	vsel vm11, v4, v3;
	v13 =	vshll.u32 v17, $0x4;
	v17 =	vtrunc.f32 v12  }
0x134: {  	v14 =	vmul.f32 $1.000000000e+01, v14;
	v18 =	vcvt.f32.s32 v17;
	vm12 =	vgt.f32 v12, v17  }
0x135: {  	v12 =	vadd.s32 v13, v16;
	v13 =	vsel vm12, v4, v3  }
0x136: {  	v16 =	vtrunc.f32 v14;
	v17 =	vshll.u32 v18, $0x4;
	v15 =	vmul.f32 $1.000000000e+01, v15  }
0x137: {  	v18 =	vcvt.f32.s32 v16;
	vm13 =	vgt.f32 v14, v16;
	v11 =	vmul.f32 $1.000000000e+01, v11  }
0x138: {  	v13 =	vadd.s32 v17, v13;
	v16 =	vsel vm13, v4, v3;
	v14 =	vtrunc.f32 v15  }
0x139: {  	v18 =	vshll.u32 v18, $0x4;
	v17 =	vtrunc.f32 v11;
	v19 =	vcvt.f32.s32 v14  }
0x13a: {  	vm14 =	vgt.f32 v15, v14;
	v14 =	vadd.s32 v18, v16;
	v20 =	vcvt.f32.s32 v17  }
0x13b: {  	vm15 =	vgt.f32 v11, v17;
	v15 =	vsel vm14, v4, v3;
	v11 =	vshll.u32 v19, $0x4  }
0x13c: {  	v17 =	vsel vm15, v4, v3;
	v16 =	vshll.u32 v20, $0x4;
	v11 =	vadd.s32 v11, v15  }
0x13d: {  	v15 =	vadd.s32 v16, v17  }
0x13e: {  	[tilespmem:v12+s15+$0x0] =	vst.idx.add.f32.msk $0xffff, v5  }
0x13f: {  	[tilespmem:v13+s15+$0x0] =	vst.idx.add.f32.msk $0xffff, v5  }
0x140: {  	[tilespmem:v14+s15+$0x0] =	vst.idx.add.f32.msk $0xffff, v5  }
0x141: {  	[tilespmem:v11+s15+$0x0] =	vst.idx.add.f32.msk $0xffff, v5  }
0x142: {  	s4 =	simm.s32 $0xC010;
	[tilespmem:v15+s15+$0x0] =	vst.idx.add.f32.msk $0xffff, v5  }
0x143: {  	v11 =	vld [tilespmem:s4+$0x0];
	_ =	sdelay $0x3  }
0x144: {  	v12 =	vld [tilespmem:s4+$0xFFFFFFF0]  }
0x145: {  	v11 =	vtrunc.f32 v11  }
0x146: {  	s9 =	simm.s32 $0x4;
	v11 =	vcvt.f32.s32 v11  }
0x147: {  	s5 =	simm.s32 $0x400;
	v14 =	vmov s9  }
0x148: {  	v10 =	vshll.u32 v10, $0x7;
	s9 =	simm.s32 $0x1;
	v14 =	vand.u32 $0x7C, v14;
	v13 =	vadd.s32 s5, v11  }
0x149: {  	s2 =	simm.s32 $0x0;
	v18 =	vmov s9;
	v14 =	vbroadcast v14, $0x0;
	s4 =	simm.s32 $0xC030;
	v12 =	vtrunc.f32 v12  }
0x14a: {  	v18 =	vand.u32 $0x79, v18;
	v15 =	vmov s2;
	s2 =	simm.s32 $0x5;
	v19 =	vld [tilespmem:s4+$0x0];
	v12 =	vcvt.f32.s32 v12  }
0x14b: {  	s12 =	simm.s32 $0x0;
	v18 =	vbroadcast v18, $0x0;
	v14 =	vor.u32 v10, v14;
	v24 =	vmov s2;
	s2 =	simm.s32 $0x6  }
0x14c: {  	s19 =	simm.s32 $0x100;
	v15 =	vand.u32 $0x78, v15;
	v26 =	vmov s2;
	v16 =	vadd.s32 s12, v12  }
0x14d: {  	v15 =	vbroadcast v15, $0x0;
	v26 =	vand.u32 $0x7E, v26;
	v17 =	vadd.s32 s19, v12;
	s12 =	simm.s32 $0x2;
	s19 =	simm.s32 $0x500;
	v13 =	vld.idx.msk [tilespmem:v13+s11+$0x0], $0xffff  }
0x14e: {  	v21 =	vld [tilespmem:s4+$0xFFFFFFF0];
	s4 =	simm.s32 $0x300;
	v26 =	vbroadcast v26, $0x0;
	v22 =	vmov s12;
	v23 =	vadd.s32 s19, v11  }
0x14f: {  	v19 =	vtrunc.f32 v19;
	s5 =	simm.s32 $0x200;
	v25 =	vadd.s32 s4, v12;
	v22 =	vand.u32 $0x7A, v22  }
0x150: {  	v20 =	vadd.s32 s5, v12;
	v12 =	vbroadcast v22, $0x0;
	v22 =	vand.u32 $0x7D, v24  }
0x151: {  	v15 =	vor.u32 v10, v15;
	v29 =	vcvt.f32.s32 v19;
	s4 =	simm.s32 $0x8;
	v22 =	vbroadcast v22, $0x0;
	v16 =	vld.idx.msk [tilespmem:v16+s11+$0x0], $0xffff  }
0x152: {  	v18 =	vor.u32 v10, v18;
	v26 =	vor.u32 v10, v26;
	s12 =	simm.s32 $0xC00;
	v27 =	vmov s4;
	[tilespmem:v14+s16+$0x0] =	vst.idx.msk $0xffff, v13  }
0x153: {  	s9 =	simm.s32 $0x600;
	s5 =	simm.s32 $0x3;
	v13 =	vtrunc.f32 v21;
	v21 =	vor.u32 v10, v22;
	v19 =	vld.idx.msk [tilespmem:v23+s11+$0x0], $0xffff;
	v23 =	vadd.s32 s12, v29  }
0x154: {  	v24 =	vmov s5;
	s5 =	simm.s32 $0xC;
	v22 =	vor.u32 v10, v12;
	v12 =	vadd.s32 s9, v11  }
0x155: {  	s0 =	simm.s32 $0x700;
	v28 =	vmov s5;
	v14 =	vand.u32 $0x7B, v24;
	v13 =	vcvt.f32.s32 v13  }
0x156: {  	s19 =	simm.s32 $0x800;
	s5 =	simm.s32 $0xA;
	[tilespmem:v15+s16+$0x0] =	vst.idx.msk $0xffff, v16;
	v15 =	vand.u32 $0x78, v27;
	v16 =	vand.u32 $0x7C, v28;
	v28 =	vadd.s32 s0, v11  }
0x157: {  	s9 =	simm.s32 $0x9;
	v11 =	vmov s5;
	v17 =	vld.idx.msk [tilespmem:v17+s11+$0x0], $0xffff;
	v16 =	vbroadcast v16, $0x0;
	v24 =	vadd.s32 s19, v13  }
0x158: {  	v14 =	vbroadcast v14, $0x0;
	v15 =	vbroadcast v15, $0x0;
	[tilespmem:v21+s16+$0x0] =	vst.idx.msk $0xffff, v19;
	v19 =	vmov s9;
	v23 =	vld.idx.msk [tilespmem:v23+s11+$0x0], $0xffff  }
0x159: {  	s12 =	simm.s32 $0x900;
	v33 =	vand.u32 $0x7A, v11;
	s19 =	simm.s32 $0xA00;
	v16 =	vor.u32 v10, v16;
	s9 =	simm.s32 $0xC050;
	v27 =	vld.idx.msk [tilespmem:v12+s11+$0x0], $0xffff;
	v19 =	vand.u32 $0x79, v19  }
0x15a: {  	v21 =	vadd.s32 s12, v13;
	s12 =	simm.s32 $0xB00;
	v12 =	vadd.s32 s19, v13;
	s19 =	simm.s32 $0xD00;
	v30 =	vld [tilespmem:s9+$0x0];
	v19 =	vbroadcast v19, $0x0  }
0x15b: {  	s26 =	simm.s32 $0x7;
	s2 =	simm.s32 $0xD;
	v15 =	vor.u32 v10, v15;
	v32 =	vld [tilespmem:s9+$0xFFFFFFF0];
	v11 =	vadd.s32 s12, v13;
	v31 =	vadd.s32 s19, v29  }
0x15c: {  	[tilespmem:v18+s16+$0x0] =	vst.idx.msk $0xffff, v17;
	v13 =	vmov s26;
	v24 =	vld.idx.msk [tilespmem:v24+s11+$0x0], $0xffff;
	v34 =	vor.u32 v10, v19;
	v19 =	vmov s2  }
0x15d: {  	s4 =	simm.s32 $0xB;
	v33 =	vbroadcast v33, $0x0;
	v20 =	vld.idx.msk [tilespmem:v20+s11+$0x0], $0xffff;
	v13 =	vand.u32 $0x7F, v13;
	v19 =	vand.u32 $0x7D, v19  }
0x15e: {  	v18 =	vmov s4;
	v17 =	vbroadcast v13, $0x0;
	v19 =	vbroadcast v19, $0x0  }
0x15f: {  	v13 =	vor.u32 v10, v14;
	[tilespmem:v16+s16+$0x0] =	vst.idx.msk $0xffff, v23;
	v16 =	vand.u32 $0x7B, v18;
	v14 =	vtrunc.f32 v30  }
0x160: {  	s5 =	simm.s32 $0xE00;
	[tilespmem:v26+s16+$0x0] =	vst.idx.msk $0xffff, v27;
	v18 =	vtrunc.f32 v32;
	v23 =	vld.idx.msk [tilespmem:v31+s11+$0x0], $0xffff;
	v14 =	vcvt.f32.s32 v14;
	v26 =	vor.u32 v10, v19  }
0x161: {  	s4 =	simm.s32 $0x10;
	s9 =	simm.s32 $0x1400;
	v27 =	vld.idx.msk [tilespmem:v28+s11+$0x0], $0xffff;
	[tilespmem:v15+s16+$0x0] =	vst.idx.msk $0xffff, v24;
	v24 =	vor.u32 v10, v17;
	v17 =	vcvt.f32.s32 v18;
	v28 =	vadd.s32 s5, v29  }
0x162: {  	s12 =	simm.s32 $0x1000;
	s26 =	simm.s32 $0xE;
	v16 =	vbroadcast v16, $0x0;
	[tilespmem:v22+s16+$0x0] =	vst.idx.msk $0xffff, v20;
	v20 =	vmov s4;
	v21 =	vld.idx.msk [tilespmem:v21+s11+$0x0], $0xffff;
	v30 =	vadd.s32 s9, v14  }
0x163: {  	v15 =	vor.u32 v10, v33;
	s5 =	simm.s32 $0x14;
	v19 =	vmov s26;
	v31 =	vadd.s32 s12, v17  }
0x164: {  	s28 =	simm.s32 $0xF;
	s19 =	simm.s32 $0x1100;
	v20 =	vand.u32 $0x78, v20;
	v22 =	vmov s5;
	v63 =	vand.u32 $0x7E, v19;
	v19 =	vld.idx.msk [tilespmem:v25+s11+$0x0], $0xffff  }
0x165: {  	s30 =	simm.s32 $0x4;
	s29 =	simm.s32 $0x1700;
	v18 =	vadd.s32 s19, v17;
	s12 =	simm.s32 $0x11;
	v22 =	vand.u32 $0x7C, v22;
	[tilespmem:v26+s16+$0x0] =	vst.idx.msk $0xffff, v23;
	v26 =	vbroadcast v63, $0x0  }
0x166: {  	s1 =	simm.s32 $0x1300;
	s31 =	simm.s32 $0x13;
	s19 =	simm.s32 $0x1200;
	v22 =	vbroadcast v22, $0x0;
	[tilespmem:v24+s16+$0x0] =	vst.idx.msk $0xffff, v27;
	v27 =	vbroadcast v20, $0x0;
	v23 =	vmov s12;
	v20 =	vld.idx.msk [tilespmem:v28+s11+$0x0], $0xffff  }
0x167: {  	s0 =	simm.s32 $0xC070;
	s2 =	simm.s32 $0x1700;
	s9 =	simm.s32 $0xF00;
	[tilespmem:v34+s16+$0x0] =	vst.idx.msk $0xffff, v21;
	v28 =	vand.u32 $0x79, v23;
	v23 =	vadd.s32 s19, v17;
	v25 =	vld.idx.msk [tilespmem:v30+s11+$0x0], $0xffff;
	v21 =	vor.u32 v10, v26  }
0x168: {  	s4 =	simm.s32 $0x12;
	s26 =	simm.s32 $0x17;
	s5 =	simm.s32 $0x1500;
	v24 =	vld.idx.msk [tilespmem:v31+s11+$0x0], $0xffff;
	v26 =	vor.u32 v10, v27;
	v27 =	vor.u32 v10, v22;
	v22 =	vadd.s32 s9, v29  }
.LBB2_12:
0x169: {  	v29 =	vld [tilespmem:s0+$0x0];
	s30 =	sadd.s32 $0x2, s30;
	v28 =	vbroadcast v28, $0x0;
	v30 =	vmov s4;
	v31 =	vadd.s32 s5, v14;
	[tilespmem:v13+s16+$0x0] =	vst.idx.msk $0xffff, v19  }
0x16a: {  	v19 =	vld [tilespmem:s0+$0xFFFFFFF0];
	p1 =	slt.u32 s30, $0x14;
	v13 =	vand.u32 $0x7A, v30;
	v30 =	vadd.s32 s1, v17;
	s1 =	sadd.s32 $0xFFFFFFFE, s26;
	v17 =	vmov s28;
	s28 =	smov.u32 s26  }
0x16b: {  	v28 =	vor.u32 v10, v28;
	v32 =	vmov s1;
	v33 =	vld.idx.msk [tilespmem:v12+s11+$0x0], $0xffff;
	v17 =	vand.u32 $0x7F, v17;
	v12 =	vmovc v23  }
0x16c: {  	v23 =	vbroadcast v13, $0x0;
	v13 =	vand.u32 $0x7D, v32;
	[tilespmem:v21+s16+$0x0] =	vst.idx.msk $0xffff, v20;
	v17 =	vbroadcast v17, $0x0  }
0x16d: {  	v20 =	vmov s31;
	[tilespmem:v27+s16+$0x0] =	vst.idx.msk $0xffff, v25;
	v21 =	vbroadcast v13, $0x0;
	v13 =	vor.u32 v10, v16;
	v22 =	vld.idx.msk [tilespmem:v22+s11+$0x0], $0xffff  }
0x16e: {  	s2 =	sadd.s32 $0x800, s2;
	v20 =	vand.u32 $0x7B, v20;
	v16 =	vtrunc.f32 v29;
	[tilespmem:v26+s16+$0x0] =	vst.idx.msk $0xffff, v24;
	v24 =	vld.idx.msk [tilespmem:v31+s11+$0x0], $0xffff;
	v25 =	vor.u32 v10, v17  }
0x16f: {  	s4 =	sadd.s32 $0xFFFFF900, s2;
	s1 =	sadd.s32 $0xFFFFFF00, s29;
	v17 =	vtrunc.f32 v19;
	v29 =	vcvt.f32.s32 v16;
	v26 =	vld.idx.msk [tilespmem:v18+s11+$0x0], $0xffff;
	v21 =	vor.u32 v10, v21  }
0x170: {  	s5 =	sadd.s32 $0xFFFFFA00, s2;
	s9 =	sadd.s32 $0xFFFFFD00, s2;
	s26 =	sadd.s32 $0x8, s26;
	v18 =	vor.u32 v10, v23;
	v23 =	vadd.s32 s1, v14;
	v17 =	vcvt.f32.s32 v17  }
0x171: {  	s12 =	sadd.s32 $0xFFFFFB00, s2;
	s31 =	sadd.s32 $0xFFFFFFFC, s26;
	v16 =	vbroadcast v20, $0x0;
	s1 =	sadd.s32 $0xFFFFFFFF, s28;
	v27 =	vadd.s32 s9, v29;
	[tilespmem:v15+s16+$0x0] =	vst.idx.msk $0xffff, v33;
	v15 =	vmov v18  }
0x172: {  	v20 =	vmov s1;
	s9 =	sadd.s32 $0xFFFFFFFD, s26;
	v31 =	vadd.s32 s4, v17;
	s4 =	sadd.s32 $0xFFFFFFF9, s26;
	v18 =	vadd.s32 s5, v17;
	s5 =	sadd.s32 $0xFFFFFFFA, s26;
	v19 =	vld.idx.msk [tilespmem:v11+s11+$0x0], $0xffff;
	v11 =	vmovc v30  }
.Ltmp4:
0x173: {  	s1 =	sadd.s32 $0xFFFFFC00, s2;
	v20 =	vand.u32 $0x7E, v20;
	v32 =	vmov s9;
	v30 =	vmov s4;
	s4 =	sadd.s32 $0xFFFFFFFB, s26;
	[tilespmem:v25+s16+$0x0] =	vst.idx.msk $0xffff, v22;
	(pc) =	sbr.rel @p1 .LBB2_12-.Ltmp4, $4  }
0x174: {  	v25 =	vand.u32 $0x7C, v32;
	v22 =	vand.u32 $0x78, v30;
	[tilespmem:v21+s16+$0x0] =	vst.idx.msk $0xffff, v24;
	v21 =	vbroadcast v20, $0x0  }
0x175: {  	v24 =	vmov s5;
	v30 =	vbroadcast v25, $0x0;
	v22 =	vbroadcast v22, $0x0;
	[tilespmem:v28+s16+$0x0] =	vst.idx.msk $0xffff, v26;
	v20 =	vld.idx.msk [tilespmem:v23+s11+$0x0], $0xffff  }
0x176: {  	v28 =	vand.u32 $0x79, v24;
	v23 =	vadd.s32 s12, v17;
	v25 =	vld.idx.msk [tilespmem:v27+s11+$0x0], $0xffff;
	v21 =	vor.u32 v10, v21  }
0x177: {  	s0 =	sadd.s32 $0x20, s0;
	s5 =	sadd.s32 $0xFFFFFE00, s2;
	v27 =	vor.u32 v10, v30;
	v24 =	vld.idx.msk [tilespmem:v31+s11+$0x0], $0xffff;
	v26 =	vor.u32 v10, v22;
	v22 =	vadd.s32 s29, v14;
	v14 =	vmovc v29;
	s29 =	smov.u32 s2  }
0x178: {  	v29 =	vadd.s32 s5, v14;
	s0 =	sadd.s32 $0xFFFFFFFE, s26  }
0x179: {  	v30 =	vmov s0  }
0x17a: {  	v30 =	vand.u32 $0x7D, v30  }
0x17b: {  	v30 =	vbroadcast v30, $0x0  }
0x17c: {  	v28 =	vbroadcast v28, $0x0;
	[tilespmem:v27+s16+$0x0] =	vst.idx.msk $0xffff, v25  }
0x17d: {  	s19 =	sadd.s32 $0xFFFFFF00, s29;
	[tilespmem:v26+s16+$0x0] =	vst.idx.msk $0xffff, v24;
	v46 =	vld.idx.msk [tilespmem:v29+s11+$0x0], $0xffff;
	v47 =	vor.u32 v10, v30  }
0x17e: {  	s30 =	sadd.s32 $0xFFFFFFFF, s26;
	v49 =	vadd.s32 s19, v14;
	v48 =	vor.u32 v10, v28;
	v18 =	vld.idx.msk [tilespmem:v18+s11+$0x0], $0xffff  }
0x17f: {  	v50 =	vmov s30  }
0x180: {  	v51 =	vmov s4;
	v28 =	vand.u32 $0x7E, v50  }
0x181: {  	v12 =	vld.idx.msk [tilespmem:v12+s11+$0x0], $0xffff;
	v28 =	vbroadcast v28, $0x0;
	v29 =	vand.u32 $0x7A, v51  }
0x182: {  	v29 =	vbroadcast v29, $0x0;
	[tilespmem:v47+s16+$0x0] =	vst.idx.msk $0xffff, v46  }
0x183: {  	v54 =	vor.u32 v10, v28;
	[tilespmem:v48+s16+$0x0] =	vst.idx.msk $0xffff, v18;
	v53 =	vld.idx.msk [tilespmem:v49+s11+$0x0], $0xffff  }
0x184: {  	v52 =	vmov s28;
	v56 =	vadd.s32 s29, v14;
	v55 =	vor.u32 v10, v29;
	v23 =	vld.idx.msk [tilespmem:v23+s11+$0x0], $0xffff  }
0x185: {  	v17 =	vadd.s32 s1, v17;
	v57 =	vmov s26;
	v24 =	vand.u32 $0x7F, v52  }
0x186: {  	v58 =	vmov s31;
	v59 =	vand.u32 $0x7F, v57;
	v24 =	vbroadcast v24, $0x0;
	[tilespmem:v15+s16+$0x0] =	vst.idx.msk $0xffff, v12  }
0x187: {  	v61 =	vor.u32 v10, v16;
	[tilespmem:v21+s16+$0x0] =	vst.idx.msk $0xffff, v20;
	v20 =	vand.u32 $0x7B, v58;
	v60 =	vbroadcast v59, $0x0;
	v11 =	vld.idx.msk [tilespmem:v11+s11+$0x0], $0xffff  }
0x188: {  	v22 =	vld.idx.msk [tilespmem:v22+s11+$0x0], $0xffff;
	v62 =	vbroadcast v20, $0x0;
	v24 =	vor.u32 v10, v24;
	[tilespmem:v54+s16+$0x0] =	vst.idx.msk $0xffff, v53  }
0x189: {  	s25 =	sadd.s32 $0x1, s25;
	v12 =	vor.u32 v10, v60;
	[tilespmem:v55+s16+$0x0] =	vst.idx.msk $0xffff, v23;
	v14 =	vld.idx.msk [tilespmem:v56+s11+$0x0], $0xffff  }
0x18a: {  	p1 =	sne.s32 s25, $0x4;
	v10 =	vor.u32 v10, v62;
	v63 =	vld.idx.msk [tilespmem:v17+s11+$0x0], $0xffff  }
.Ltmp5:
0x18b: {  	[tilespmem:v13+s16+$0x0] =	vst.idx.msk $0xffff, v19;
	(pc) =	sbr.rel @p1 .LBB2_3-.Ltmp5, $4  }
0x18c: {  	[tilespmem:v61+s16+$0x0] =	vst.idx.msk $0xffff, v11  }
0x18d: {  	[tilespmem:v24+s16+$0x0] =	vst.idx.msk $0xffff, v22  }
0x18e: {  	[tilespmem:v12+s16+$0x0] =	vst.idx.msk $0xffff, v14  }
0x18f: {  	[tilespmem:v10+s16+$0x0] =	vst.idx.msk $0xffff, v63  }
0x190: {  	p1 =	seq.s32 s22, $0x3  }
0x191: {  	s24 =	sshll.u32 s22, $0xB;
	s0 =	sadd.s32 @!p1 s23, s6;
	s1 =	simm.s32 @!p1 $0x0  }
0x192: {  	[tilespmem:s1], [sflag:$0x1] =	stream.linear.gather @!p1 [hbm4b:s0+s1], $0x4000, $0x38;
	[tilespmem:$0x11980] =	vst v63  }
0x193: {  	s31 =	sadd.s32 s24, s7  }
0x194: {  	[hbm4b:s31+s3] =	stream.linear.scatter [tilespmem:s16], [sflag:$0x3], $0x2000, $0x38;
	[tilespmem:$0x11980] =	vst v63  }
0x195: {  	_ =	swait.ge [sflag:s17], $0x4000  }
0x196: {  	[sflag:s17] =	ssyncset.done $0x0  }
0x197: {  	s0 =	simm.s32 @!p0 $0x4;
	[sflag:s17] =	ssyncadd.s32 $0xFFFFC000  }
0x198: {  	_ =	swait.ge @!p0 [sflag:s0], $0x2000  }
0x199: {  	[sflag:s0] =	ssyncset.done @!p0 $0x0  }
0x19a: {  	s25 =	simm.s32 $0x0;
	s26 =	simm.s32 $0x0;
	[sflag:s0] =	ssyncadd.s32 @!p0 $0xFFFFE000  }
.LBB2_15:
0x19b: {  	[tilespmem:$0xC000] =	vst v1  }
0x19c: {  	[tilespmem:$0xC010] =	vst v1  }
0x19d: {  	[tilespmem:$0xC020] =	vst v1  }
0x19e: {  	[tilespmem:$0xC030] =	vst v1  }
0x19f: {  	[tilespmem:$0xC040] =	vst v1  }
0x1a0: {  	[tilespmem:$0xC050] =	vst v1  }
0x1a1: {  	[tilespmem:$0xC060] =	vst v1  }
0x1a2: {  	[tilespmem:$0xC070] =	vst v1  }
0x1a3: {  	[tilespmem:$0xC080] =	vst v1  }
0x1a4: {  	[tilespmem:$0xC090] =	vst v1  }
0x1a5: {  	[tilespmem:$0xC0A0] =	vst v1  }
0x1a6: {  	[tilespmem:$0xC0B0] =	vst v1  }
0x1a7: {  	[tilespmem:$0xC0C0] =	vst v1;
	s0 =	sshll.u32 s26, $0x4  }
0x1a8: {  	[tilespmem:$0xC0D0] =	vst v1;
	v10 =	vor.u32 s0, v0  }
0x1a9: {  	[tilespmem:$0xC0E0] =	vst v1;
	s12 =	simm.s32 $0x4;
	v11 =	vshll.u32 v10, $0x8  }
0x1aa: {  	[tilespmem:$0xC0F0] =	vst v1;
	v13 =	vadd.s32 s12, v0;
	v12 =	vand.u32 $0x3800, v11  }
0x1ab: {  	[tilespmem:$0xC100] =	vst v1;
	v14 =	vadd.s32 s25, v0;
	s19 =	simm.s32 $0x5;
	v13 =	vand.u32 $0x7F, v13;
	v11 =	vor.u32 v2, v12  }
0x1ac: {  	[tilespmem:$0xC110] =	vst v1;
	s29 =	simm.s32 $0x7;
	v15 =	vadd.s32 s19, v0;
	v14 =	vand.u32 $0x7F, v14;
	v13 =	vor.u32 v11, v13  }
0x1ad: {  	[tilespmem:$0xC120] =	vst v1;
	s1 =	simm.s32 $0x1;
	v16 =	vadd.s32 s29, v0;
	v15 =	vand.u32 $0x7F, v15;
	v14 =	vor.u32 v11, v14  }
0x1ae: {  	[tilespmem:$0xC130] =	vst v1;
	v17 =	vadd.s32 s1, v0;
	v16 =	vand.u32 $0x7F, v16;
	v15 =	vor.u32 v11, v15  }
0x1af: {  	[tilespmem:$0xC140] =	vst v1;
	v17 =	vand.u32 $0x7F, v17;
	v16 =	vor.u32 v11, v16  }
0x1b0: {  	[tilespmem:$0xC150] =	vst v1;
	v17 =	vor.u32 v11, v17  }
0x1b1: {  	v13 =	vld.idx.msk [tilespmem:v13+s13+$0x0], $0xffff  }
0x1b2: {  	v14 =	vld.idx.msk [tilespmem:v14+s13+$0x0], $0xffff  }
0x1b3: {  	v15 =	vld.idx.msk [tilespmem:v15+s13+$0x0], $0xffff  }
0x1b4: {  	s2 =	simm.s32 $0x6;
	v16 =	vld.idx.msk [tilespmem:v16+s13+$0x0], $0xffff  }
0x1b5: {  	s30 =	simm.s32 $0x2;
	v20 =	vadd.s32 s2, v0;
	v17 =	vld.idx.msk [tilespmem:v17+s13+$0x0], $0xffff  }
0x1b6: {  	s31 =	simm.s32 $0x3;
	v18 =	vadd.s32 s30, v0;
	v20 =	vand.u32 $0x7F, v20  }
0x1b7: {  	v19 =	vadd.s32 s31, v0;
	v18 =	vand.u32 $0x7F, v18;
	v20 =	vor.u32 v11, v20  }
0x1b8: {  	v22 =	vor.u32 v11, v18;
	v18 =	vand.u32 $0x7F, v19;
	v13 =	vmul.f32 $1.000000000e+01, v13  }
0x1b9: {  	v23 =	vor.u32 v11, v18;
	v14 =	vmul.f32 $1.000000000e+01, v14;
	v21 =	vmul.f32 $1.000000000e+01, v15  }
0x1ba: {  	v25 =	vmul.f32 $1.000000000e+01, v16;
	v17 =	vmul.f32 $1.000000000e+01, v17  }
0x1bb: {  	v19 =	vtrunc.f32 v13;
	v15 =	vtrunc.f32 v14  }
0x1bc: {  	vm0 =	vgt.f32 v13, v19;
	v13 =	vcvt.f32.s32 v19;
	v19 =	vtrunc.f32 v21  }
0x1bd: {  	v24 =	vcvt.f32.s32 v15;
	v18 =	vsel vm0, v4, v3;
	vm0 =	vgt.f32 v14, v15;
	v15 =	vld.idx.msk [tilespmem:v20+s13+$0x0], $0xffff  }
0x1be: {  	v16 =	vsel vm0, v4, v3;
	v13 =	vshll.u32 v13, $0x4;
	vm0 =	vgt.f32 v21, v19;
	v21 =	vld.idx.msk [tilespmem:v23+s13+$0x0], $0xffff  }
0x1bf: {  	v24 =	vshll.u32 v24, $0x4;
	v18 =	vadd.s32 v13, v18  }
0x1c0: {  	v14 =	vcvt.f32.s32 v19;
	v20 =	vld.idx.msk [tilespmem:v22+s13+$0x0], $0xffff;
	v13 =	vadd.s32 v24, v16;
	v16 =	vtrunc.f32 v17  }
0x1c1: {  	v23 =	vtrunc.f32 v25;
	v19 =	vcvt.f32.s32 v16;
	vm1 =	vgt.f32 v17, v16  }
0x1c2: {  	s28 =	simm.s32 $0x8;
	v17 =	vsel vm0, v4, v3;
	v16 =	vcvt.f32.s32 v23;
	vm0 =	vgt.f32 v25, v23  }
.LBB2_16:
0x1c3: {  	v22 =	vadd.s32 s28, v0;
	s0 =	sadd.s32 $0x1, s28;
	s1 =	sadd.s32 $0x2, s28;
	s2 =	sadd.s32 $0x3, s28;
	v21 =	vmul.f32 $1.000000000e+01, v21;
	v15 =	vmul.f32 $1.000000000e+01, v15  }
0x1c4: {  	s4 =	sadd.s32 $0x6, s28;
	v25 =	vsel vm1, v4, v3;
	v23 =	vadd.s32 s0, v0;
	v24 =	vadd.s32 s1, v0;
	s0 =	sadd.s32 $0x4, s28;
	s1 =	sadd.s32 $0x5, s28;
	[tilespmem:v18+s15+$0x0] =	vst.idx.add.f32.msk $0xffff, v5  }
0x1c5: {  	p0 =	slt.u32 s28, $0x68;
	v20 =	vmul.f32 $1.000000000e+01, v20;
	v18 =	vadd.s32 s0, v0;
	v26 =	vadd.s32 s1, v0;
	s0 =	sadd.s32 $0x7, s28;
	s28 =	sadd.s32 $0x8, s28  }
0x1c6: {  	v28 =	vtrunc.f32 v21;
	v26 =	vand.u32 $0x7F, v26;
	v27 =	vadd.s32 s0, v0  }
0x1c7: {  	v22 =	vand.u32 $0x7F, v22;
	v18 =	vand.u32 $0x7F, v18;
	vm1 =	vgt.f32 v21, v28;
	[tilespmem:v13+s15+$0x0] =	vst.idx.add.f32.msk $0xffff, v5  }
0x1c8: {  	v21 =	vcvt.f32.s32 v28;
	v13 =	vor.u32 v11, v18;
	v18 =	vand.u32 $0x7F, v27  }
0x1c9: {  	v19 =	vshll.u32 v19, $0x4;
	v22 =	vor.u32 v11, v22;
	v18 =	vor.u32 v11, v18  }
0x1ca: {  	v28 =	vadd.s32 s4, v0;
	v27 =	vadd.s32 s2, v0;
	v26 =	vor.u32 v11, v26  }
0x1cb: {  	v23 =	vand.u32 $0x7F, v23;
	v28 =	vand.u32 $0x7F, v28;
	v21 =	vshll.u32 v21, $0x4  }
0x1cc: {  	v14 =	vshll.u32 v14, $0x4;
	v29 =	vtrunc.f32 v15;
	v28 =	vor.u32 v11, v28  }
0x1cd: {  	v24 =	vand.u32 $0x7F, v24;
	v23 =	vor.u32 v11, v23;
	v30 =	vsel vm1, v4, v3;
	v13 =	vld.idx.msk [tilespmem:v13+s13+$0x0], $0xffff  }
0x1ce: {  	v31 =	vsel vm0, v4, v3;
	v16 =	vshll.u32 v16, $0x4;
	v24 =	vor.u32 v11, v24;
	v22 =	vld.idx.msk [tilespmem:v22+s13+$0x0], $0xffff  }
0x1cf: {  	v14 =	vadd.s32 v14, v17;
	v17 =	vcvt.f32.s32 v29;
	vm0 =	vgt.f32 v15, v29;
	v26 =	vld.idx.msk [tilespmem:v26+s13+$0x0], $0xffff  }
0x1d0: {  	v19 =	vadd.s32 v19, v25;
	v16 =	vadd.s32 v16, v31;
	v15 =	vtrunc.f32 v20  }
0x1d1: {  	v25 =	vand.u32 $0x7F, v27;
	v27 =	vcvt.f32.s32 v15;
	v17 =	vshll.u32 v17, $0x4;
	v18 =	vld.idx.msk [tilespmem:v18+s13+$0x0], $0xffff  }
0x1d2: {  	vm1 =	vgt.f32 v20, v15;
	v20 =	vsel vm0, v4, v3;
	v25 =	vor.u32 v11, v25;
	v23 =	vld.idx.msk [tilespmem:v23+s13+$0x0], $0xffff  }
0x1d3: {  	v27 =	vshll.u32 v27, $0x4;
	v13 =	vmul.f32 $1.000000000e+01, v13;
	v15 =	vld.idx.msk [tilespmem:v28+s13+$0x0], $0xffff;
	v28 =	vadd.s32 v21, v30  }
0x1d4: {  	v17 =	vadd.s32 v17, v20;
	v22 =	vmul.f32 $1.000000000e+01, v22;
	v21 =	vsel vm1, v4, v3;
	[tilespmem:v14+s15+$0x0] =	vst.idx.add.f32.msk $0xffff, v5  }
0x1d5: {  	v14 =	vtrunc.f32 v13;
	v26 =	vmul.f32 $1.000000000e+01, v26;
	v27 =	vadd.s32 v27, v21;
	[tilespmem:v16+s15+$0x0] =	vst.idx.add.f32.msk $0xffff, v5  }
0x1d6: {  	v16 =	vtrunc.f32 v22;
	v29 =	vcvt.f32.s32 v14;
	vm0 =	vgt.f32 v13, v14;
	[tilespmem:v19+s15+$0x0] =	vst.idx.add.f32.msk $0xffff, v5  }
0x1d7: {  	v13 =	vsel vm0, v4, v3;
	v19 =	vtrunc.f32 v26;
	v21 =	vld.idx.msk [tilespmem:v25+s13+$0x0], $0xffff  }
0x1d8: {  	v14 =	vcvt.f32.s32 v16;
	vm0 =	vgt.f32 v22, v16;
	v22 =	vmul.f32 $1.000000000e+01, v18;
	[tilespmem:v28+s15+$0x0] =	vst.idx.add.f32.msk $0xffff, v5  }
.Ltmp6:
0x1d9: {  	v16 =	vsel vm0, v4, v3;
	v23 =	vmul.f32 $1.000000000e+01, v23;
	v18 =	vshll.u32 v29, $0x4;
	v20 =	vld.idx.msk [tilespmem:v24+s13+$0x0], $0xffff;
	(pc) =	sbr.rel @p0 .LBB2_16-.Ltmp6, $4  }
0x1da: {  	v18 =	vadd.s32 v18, v13;
	v24 =	vshll.u32 v14, $0x4;
	v14 =	vcvt.f32.s32 v19;
	[tilespmem:v27+s15+$0x0] =	vst.idx.add.f32.msk $0xffff, v5  }
0x1db: {  	vm0 =	vgt.f32 v26, v19;
	v13 =	vadd.s32 v24, v16;
	v16 =	vtrunc.f32 v23;
	[tilespmem:v17+s15+$0x0] =	vst.idx.add.f32.msk $0xffff, v5  }
0x1dc: {  	v19 =	vcvt.f32.s32 v16;
	vm1 =	vgt.f32 v23, v16;
	v23 =	vtrunc.f32 v22  }
0x1dd: {  	v17 =	vsel vm0, v4, v3;
	v16 =	vcvt.f32.s32 v23;
	vm0 =	vgt.f32 v22, v23  }
0x1de: {  	v21 =	vmul.f32 $1.000000000e+01, v21  }
0x1df: {  	v14 =	vshll.u32 v14, $0x4;
	v22 =	vsel vm1, v4, v3;
	v15 =	vmul.f32 $1.000000000e+01, v15  }
0x1e0: {  	v20 =	vmul.f32 $1.000000000e+01, v20;
	v19 =	vshll.u32 v19, $0x4;
	v58 =	vsel vm0, v4, v3  }
0x1e1: {  	v14 =	vadd.s32 v14, v17;
	v16 =	vshll.u32 v16, $0x4;
	v19 =	vadd.s32 v19, v22  }
0x1e2: {  	v17 =	vtrunc.f32 v21;
	v59 =	vtrunc.f32 v20;
	v16 =	vadd.s32 v16, v58  }
0x1e3: {  	v60 =	vtrunc.f32 v15;
	vm12 =	vgt.f32 v21, v17;
	v17 =	vcvt.f32.s32 v17  }
0x1e4: {  	vm13 =	vgt.f32 v20, v59;
	v61 =	vcvt.f32.s32 v59;
	vm14 =	vgt.f32 v15, v60  }
0x1e5: {  	v15 =	vcvt.f32.s32 v60;
	v62 =	vsel vm12, v4, v3;
	v17 =	vshll.u32 v17, $0x4  }
0x1e6: {  	[tilespmem:v18+s15+$0x0] =	vst.idx.add.f32.msk $0xffff, v5;
	v63 =	vsel vm13, v4, v3;
	v18 =	vshll.u32 v61, $0x4;
	v17 =	vadd.s32 v17, v62  }
0x1e7: {  	[tilespmem:v13+s15+$0x0] =	vst.idx.add.f32.msk $0xffff, v5;
	v13 =	vshll.u32 v15, $0x4;
	v15 =	vsel vm14, v4, v3;
	v18 =	vadd.s32 v18, v63  }
0x1e8: {  	[tilespmem:v14+s15+$0x0] =	vst.idx.add.f32.msk $0xffff, v5;
	v13 =	vadd.s32 v13, v15  }
0x1e9: {  	v14 =	vor.u32 v6, v12;
	[tilespmem:v19+s15+$0x0] =	vst.idx.add.f32.msk $0xffff, v5  }
0x1ea: {  	[tilespmem:v16+s15+$0x0] =	vst.idx.add.f32.msk $0xffff, v5  }
0x1eb: {  	[tilespmem:v17+s15+$0x0] =	vst.idx.add.f32.msk $0xffff, v5  }
0x1ec: {  	[tilespmem:v18+s15+$0x0] =	vst.idx.add.f32.msk $0xffff, v5  }
0x1ed: {  	[tilespmem:v13+s15+$0x0] =	vst.idx.add.f32.msk $0xffff, v5  }
0x1ee: {  	v13 =	vld.idx.msk [tilespmem:v14+s13+$0x0], $0xffff;
	_ =	sdelay $0x4  }
0x1ef: {  	v13 =	vmul.f32 $1.000000000e+01, v13;
	_ =	sdelay $0x1  }
0x1f0: {  	v14 =	vtrunc.f32 v13  }
0x1f1: {  	v15 =	vcvt.f32.s32 v14  }
0x1f2: {  	vm15 =	vgt.f32 v13, v14  }
0x1f3: {  	v14 =	vsel vm15, v4, v3;
	v13 =	vshll.u32 v15, $0x4  }
0x1f4: {  	v13 =	vadd.s32 v13, v14;
	_ =	sdelay $0x3  }
0x1f5: {  	s0 =	simm.s32 $0x71  }
0x1f6: {  	s30 =	simm.s32 $0x75;
	[tilespmem:v13+s15+$0x0] =	vst.idx.add.f32.msk $0xffff, v5;
	v13 =	vadd.s32 s0, v0  }
0x1f7: {  	v15 =	vadd.s32 s30, v0;
	v14 =	vshll.u32 v13, $0x3  }
0x1f8: {  	v16 =	vshll.u32 v15, $0x3;
	v13 =	vand.u32 $0x7F, v13;
	v14 =	vand.u32 $0x400, v14  }
0x1f9: {  	v13 =	vor.u32 v14, v13;
	v14 =	vand.u32 $0xC00, v16  }
0x1fa: {  	v17 =	vadd.s32 v11, v14;
	v14 =	vor.u32 v11, v13  }
0x1fb: {  	s31 =	simm.s32 $0x74  }
0x1fc: {  	v15 =	vand.u32 $0x7F, v15;
	v16 =	vadd.s32 s31, v0  }
0x1fd: {  	s1 =	simm.s32 $0x73;
	v18 =	vshll.u32 v16, $0x3;
	v13 =	vor.u32 v15, v17  }
0x1fe: {  	s28 =	simm.s32 $0x76;
	s0 =	simm.s32 $0x72;
	v16 =	vand.u32 $0x7F, v16;
	v15 =	vadd.s32 s1, v0;
	v17 =	vand.u32 $0xC00, v18  }
.LBB2_18:
0x1ff: {  	p0 =	slt.u32 s28, $0x7B;
	v14 =	vld.idx.msk [tilespmem:v14+s13+$0x0], $0xffff;
	v18 =	vadd.s32 s0, v0;
	v19 =	vshll.u32 v15, $0x3;
	v17 =	vadd.s32 v11, v17  }
0x200: {  	v20 =	vshll.u32 v18, $0x3;
	v19 =	vand.u32 $0xC00, v19;
	v16 =	vor.u32 v16, v17  }
0x201: {  	v15 =	vand.u32 $0x7F, v15;
	v17 =	vand.u32 $0xC00, v20;
	v19 =	vadd.s32 v11, v19  }
0x202: {  	v18 =	vand.u32 $0x7F, v18;
	v17 =	vadd.s32 v11, v17;
	v15 =	vor.u32 v15, v19;
	v13 =	vld.idx.msk [tilespmem:v13+s13+$0x0], $0xffff  }
0x203: {  	v17 =	vor.u32 v18, v17;
	_ =	sdelay $0x1  }
0x204: {  	v14 =	vmul.f32 $1.000000000e+01, v14;
	v16 =	vld.idx.msk [tilespmem:v16+s13+$0x0], $0xffff;
	_ =	sdelay $0x1  }
0x205: {  	v18 =	vtrunc.f32 v14;
	v15 =	vld.idx.msk [tilespmem:v15+s13+$0x0], $0xffff  }
0x206: {  	v19 =	vadd.s32 s28, v0;
	v20 =	vcvt.f32.s32 v18;
	v13 =	vmul.f32 $1.000000000e+01, v13;
	v17 =	vld.idx.msk [tilespmem:v17+s13+$0x0], $0xffff  }
0x207: {  	v21 =	vand.u32 $0x7F, v19;
	v19 =	vshll.u32 v19, $0x3;
	vm0 =	vgt.f32 v14, v18  }
0x208: {  	v18 =	vsel vm0, v4, v3;
	v14 =	vshll.u32 v20, $0x4;
	v20 =	vtrunc.f32 v13  }
0x209: {  	v16 =	vmul.f32 $1.000000000e+01, v16;
	v22 =	vcvt.f32.s32 v20;
	vm0 =	vgt.f32 v13, v20  }
0x20a: {  	v13 =	vand.u32 $0x400, v19;
	v18 =	vadd.s32 v14, v18;
	v14 =	vsel vm0, v4, v3  }
0x20b: {  	v15 =	vmul.f32 $1.000000000e+01, v15;
	v19 =	vtrunc.f32 v16;
	v20 =	vshll.u32 v22, $0x4  }
0x20c: {  	v17 =	vmul.f32 $1.000000000e+01, v17;
	v22 =	vcvt.f32.s32 v19;
	vm0 =	vgt.f32 v16, v19  }
0x20d: {  	v20 =	vadd.s32 v20, v14;
	v16 =	vtrunc.f32 v15;
	v19 =	vsel vm0, v4, v3  }
0x20e: {  	v14 =	vtrunc.f32 v17;
	v23 =	vcvt.f32.s32 v16;
	v22 =	vshll.u32 v22, $0x4  }
0x20f: {  	vm0 =	vgt.f32 v15, v16;
	v24 =	vcvt.f32.s32 v14;
	v15 =	vadd.s32 v22, v19  }
0x210: {  	vm1 =	vgt.f32 v17, v14;
	v16 =	vsel vm0, v4, v3;
	v14 =	vshll.u32 v23, $0x4  }
0x211: {  	s0 =	sadd.s32 $0x4, s28;
	v19 =	vsel vm1, v4, v3;
	v17 =	vshll.u32 v24, $0x4;
	v16 =	vadd.s32 v14, v16  }
0x212: {  	v13 =	vor.u32 v13, v21;
	v21 =	vadd.s32 s0, v0;
	v19 =	vadd.s32 v17, v19  }
.Ltmp7:
0x213: {  	v14 =	vor.u32 v11, v13;
	v13 =	vshll.u32 v21, $0x3;
	[tilespmem:v18+s15+$0x0] =	vst.idx.add.f32.msk $0xffff, v5;
	(pc) =	sbr.rel @p0 .LBB2_18-.Ltmp7, $4  }
0x214: {  	s0 =	sadd.s32 $0x3, s28;
	v13 =	vand.u32 $0xC00, v13;
	[tilespmem:v20+s15+$0x0] =	vst.idx.add.f32.msk $0xffff, v5  }
0x215: {  	v17 =	vadd.s32 s0, v0;
	v13 =	vadd.s32 v11, v13;
	v18 =	vand.u32 $0x7F, v21;
	[tilespmem:v15+s15+$0x0] =	vst.idx.add.f32.msk $0xffff, v5  }
0x216: {  	s1 =	sadd.s32 $0x2, s28;
	v20 =	vshll.u32 v17, $0x3;
	v13 =	vor.u32 v18, v13;
	[tilespmem:v16+s15+$0x0] =	vst.idx.add.f32.msk $0xffff, v5  }
0x217: {  	s0 =	sadd.s32 $0x1, s28;
	s28 =	sadd.s32 $0x5, s28;
	v15 =	vadd.s32 s1, v0;
	v16 =	vand.u32 $0x7F, v17;
	v17 =	vand.u32 $0xC00, v20;
	[tilespmem:v19+s15+$0x0] =	vst.idx.add.f32.msk $0xffff, v5  }
0x218: {  	_ =	sdelay $0x3  }
0x219: {  	v14 =	vld.idx.msk [tilespmem:v14+s13+$0x0], $0xffff;
	v18 =	vadd.s32 s0, v0;
	v19 =	vshll.u32 v15, $0x3;
	v17 =	vadd.s32 v11, v17  }
0x21a: {  	v20 =	vshll.u32 v18, $0x3;
	v19 =	vand.u32 $0xC00, v19;
	v16 =	vor.u32 v16, v17  }
0x21b: {  	v15 =	vand.u32 $0x7F, v15;
	v17 =	vand.u32 $0xC00, v20;
	v19 =	vadd.s32 v11, v19  }
0x21c: {  	v13 =	vld.idx.msk [tilespmem:v13+s13+$0x0], $0xffff;
	v18 =	vand.u32 $0x7F, v18;
	v17 =	vadd.s32 v11, v17;
	v15 =	vor.u32 v15, v19  }
0x21d: {  	v17 =	vor.u32 v18, v17  }
0x21e: {  	v14 =	vmul.f32 $1.000000000e+01, v14  }
0x21f: {  	v16 =	vld.idx.msk [tilespmem:v16+s13+$0x0], $0xffff  }
0x220: {  	v18 =	vtrunc.f32 v14  }
0x221: {  	v13 =	vmul.f32 $1.000000000e+01, v13;
	v15 =	vld.idx.msk [tilespmem:v15+s13+$0x0], $0xffff;
	v19 =	vcvt.f32.s32 v18  }
0x222: {  	vm0 =	vgt.f32 v14, v18;
	v17 =	vld.idx.msk [tilespmem:v17+s13+$0x0], $0xffff  }
0x223: {  	v18 =	vsel vm0, v4, v3;
	v14 =	vshll.u32 v19, $0x4;
	v19 =	vtrunc.f32 v13  }
0x224: {  	v16 =	vmul.f32 $1.000000000e+01, v16;
	v20 =	vcvt.f32.s32 v19;
	vm0 =	vgt.f32 v13, v19  }
0x225: {  	v13 =	vadd.s32 v14, v18;
	v14 =	vsel vm0, v4, v3  }
0x226: {  	v15 =	vmul.f32 $1.000000000e+01, v15;
	v18 =	vtrunc.f32 v16;
	v19 =	vshll.u32 v20, $0x4  }
0x227: {  	v17 =	vmul.f32 $1.000000000e+01, v17;
	v20 =	vcvt.f32.s32 v18;
	vm0 =	vgt.f32 v16, v18  }
0x228: {  	v14 =	vadd.s32 v19, v14;
	v16 =	vtrunc.f32 v15;
	v18 =	vsel vm0, v4, v3  }
0x229: {  	v19 =	vtrunc.f32 v17;
	v21 =	vcvt.f32.s32 v16;
	v20 =	vshll.u32 v20, $0x4  }
0x22a: {  	vm0 =	vgt.f32 v15, v16;
	v22 =	vcvt.f32.s32 v19;
	v15 =	vadd.s32 v20, v18  }
0x22b: {  	vm1 =	vgt.f32 v17, v19;
	v17 =	vsel vm0, v4, v3;
	v16 =	vshll.u32 v21, $0x4  }
0x22c: {  	s1 =	simm.s32 $0x84;
	v16 =	vadd.s32 v16, v17  }
0x22d: {  	v19 =	vsel vm1, v4, v3;
	v18 =	vshll.u32 v22, $0x4;
	[tilespmem:v14+s15+$0x0] =	vst.idx.add.f32.msk $0xffff, v5;
	v14 =	vadd.s32 s1, v0  }
0x22e: {  	s29 =	simm.s32 $0x81;
	[tilespmem:v13+s15+$0x0] =	vst.idx.add.f32.msk $0xffff, v5;
	v13 =	vor.u32 v7, v12;
	v17 =	vadd.s32 v18, v19;
	v14 =	vand.u32 $0x7F, v14  }
0x22f: {  	s9 =	simm.s32 $0x80;
	v18 =	vadd.s32 s29, v0;
	v14 =	vor.u32 v13, v14  }
0x230: {  	s12 =	simm.s32 $0x85;
	v18 =	vand.u32 $0x7F, v18;
	[tilespmem:v15+s15+$0x0] =	vst.idx.add.f32.msk $0xffff, v5;
	v15 =	vadd.s32 s9, v0  }
0x231: {  	v18 =	vor.u32 v13, v18;
	v15 =	vand.u32 $0x7F, v15;
	[tilespmem:v16+s15+$0x0] =	vst.idx.add.f32.msk $0xffff, v5;
	v16 =	vadd.s32 s12, v0  }
0x232: {  	v15 =	vor.u32 v13, v15;
	v16 =	vand.u32 $0x7F, v16  }
0x233: {  	s19 =	simm.s32 $0x87;
	[tilespmem:v17+s15+$0x0] =	vst.idx.add.f32.msk $0xffff, v5;
	v16 =	vor.u32 v13, v16  }
0x234: {  	v17 =	vadd.s32 s19, v0;
	v14 =	vld.idx.msk [tilespmem:v14+s13+$0x0], $0xffff  }
0x235: {  	v17 =	vand.u32 $0x7F, v17  }
0x236: {  	v17 =	vor.u32 v13, v17;
	v18 =	vld.idx.msk [tilespmem:v18+s13+$0x0], $0xffff  }
0x237: {  	s30 =	simm.s32 $0x82;
	s31 =	simm.s32 $0x83;
	s2 =	simm.s32 $0x86;
	v15 =	vld.idx.msk [tilespmem:v15+s13+$0x0], $0xffff  }
0x238: {  	v20 =	vadd.s32 s31, v0;
	v21 =	vadd.s32 s2, v0;
	v19 =	vadd.s32 s30, v0;
	v16 =	vld.idx.msk [tilespmem:v16+s13+$0x0], $0xffff  }
0x239: {  	v21 =	vand.u32 $0x7F, v21;
	v19 =	vand.u32 $0x7F, v19;
	v14 =	vmul.f32 $1.000000000e+01, v14  }
0x23a: {  	v21 =	vor.u32 v13, v21;
	v23 =	vor.u32 v13, v19;
	v19 =	vand.u32 $0x7F, v20  }
0x23b: {  	v24 =	vor.u32 v13, v19;
	v17 =	vld.idx.msk [tilespmem:v17+s13+$0x0], $0xffff;
	v20 =	vtrunc.f32 v14  }
0x23c: {  	v15 =	vmul.f32 $1.000000000e+01, v15;
	vm0 =	vgt.f32 v14, v20;
	v14 =	vcvt.f32.s32 v20  }
0x23d: {  	v18 =	vmul.f32 $1.000000000e+01, v18;
	v22 =	vmul.f32 $1.000000000e+01, v16  }
0x23e: {  	v19 =	vsel vm0, v4, v3;
	v16 =	vtrunc.f32 v15;
	v14 =	vshll.u32 v14, $0x4  }
0x23f: {  	v25 =	vcvt.f32.s32 v16;
	vm0 =	vgt.f32 v15, v16;
	v16 =	vld.idx.msk [tilespmem:v21+s13+$0x0], $0xffff;
	v20 =	vtrunc.f32 v22  }
0x240: {  	v26 =	vmul.f32 $1.000000000e+01, v17;
	v17 =	vsel vm0, v4, v3;
	vm0 =	vgt.f32 v22, v20;
	v22 =	vld.idx.msk [tilespmem:v24+s13+$0x0], $0xffff  }
0x241: {  	v19 =	vadd.s32 v14, v19;
	v25 =	vshll.u32 v25, $0x4  }
0x242: {  	v21 =	vld.idx.msk [tilespmem:v23+s13+$0x0], $0xffff;
	v15 =	vcvt.f32.s32 v20;
	v14 =	vadd.s32 v25, v17;
	v17 =	vtrunc.f32 v18  }
0x243: {  	v63 =	vtrunc.f32 v26;
	v20 =	vcvt.f32.s32 v17;
	vm1 =	vgt.f32 v18, v17  }
0x244: {  	s28 =	simm.s32 $0x88;
	v18 =	vsel vm0, v4, v3;
	v17 =	vcvt.f32.s32 v63;
	vm0 =	vgt.f32 v26, v63  }
.LBB2_20:
0x245: {  	v23 =	vadd.s32 s28, v0;
	s0 =	sadd.s32 $0x1, s28;
	s1 =	sadd.s32 $0x2, s28;
	s2 =	sadd.s32 $0x3, s28;
	v22 =	vmul.f32 $1.000000000e+01, v22;
	v16 =	vmul.f32 $1.000000000e+01, v16  }
0x246: {  	s4 =	sadd.s32 $0x6, s28;
	v26 =	vsel vm1, v4, v3;
	v24 =	vadd.s32 s0, v0;
	v25 =	vadd.s32 s1, v0;
	s0 =	sadd.s32 $0x4, s28;
	s1 =	sadd.s32 $0x5, s28;
	[tilespmem:v19+s15+$0x0] =	vst.idx.add.f32.msk $0xffff, v5  }
0x247: {  	p0 =	slt.u32 s28, $0xB0;
	v21 =	vmul.f32 $1.000000000e+01, v21;
	v19 =	vadd.s32 s0, v0;
	v27 =	vadd.s32 s1, v0;
	s0 =	sadd.s32 $0x7, s28;
	s28 =	sadd.s32 $0x8, s28  }
0x248: {  	v29 =	vtrunc.f32 v22;
	v27 =	vand.u32 $0x7F, v27;
	v28 =	vadd.s32 s0, v0  }
0x249: {  	v23 =	vand.u32 $0x7F, v23;
	v19 =	vand.u32 $0x7F, v19;
	vm1 =	vgt.f32 v22, v29;
	[tilespmem:v14+s15+$0x0] =	vst.idx.add.f32.msk $0xffff, v5  }
0x24a: {  	v22 =	vcvt.f32.s32 v29;
	v14 =	vor.u32 v13, v19;
	v19 =	vand.u32 $0x7F, v28  }
0x24b: {  	v20 =	vshll.u32 v20, $0x4;
	v23 =	vor.u32 v13, v23;
	v19 =	vor.u32 v13, v19  }
0x24c: {  	v29 =	vadd.s32 s4, v0;
	v28 =	vadd.s32 s2, v0;
	v27 =	vor.u32 v13, v27  }
0x24d: {  	v24 =	vand.u32 $0x7F, v24;
	v29 =	vand.u32 $0x7F, v29;
	v22 =	vshll.u32 v22, $0x4  }
0x24e: {  	v15 =	vshll.u32 v15, $0x4;
	v30 =	vtrunc.f32 v16;
	v29 =	vor.u32 v13, v29  }
0x24f: {  	v25 =	vand.u32 $0x7F, v25;
	v24 =	vor.u32 v13, v24;
	v31 =	vsel vm1, v4, v3;
	v14 =	vld.idx.msk [tilespmem:v14+s13+$0x0], $0xffff  }
0x250: {  	v32 =	vsel vm0, v4, v3;
	v17 =	vshll.u32 v17, $0x4;
	v25 =	vor.u32 v13, v25;
	v23 =	vld.idx.msk [tilespmem:v23+s13+$0x0], $0xffff  }
0x251: {  	v15 =	vadd.s32 v15, v18;
	v18 =	vcvt.f32.s32 v30;
	vm0 =	vgt.f32 v16, v30;
	v27 =	vld.idx.msk [tilespmem:v27+s13+$0x0], $0xffff  }
0x252: {  	v20 =	vadd.s32 v20, v26;
	v17 =	vadd.s32 v17, v32;
	v16 =	vtrunc.f32 v21  }
0x253: {  	v26 =	vand.u32 $0x7F, v28;
	v28 =	vcvt.f32.s32 v16;
	v18 =	vshll.u32 v18, $0x4;
	v19 =	vld.idx.msk [tilespmem:v19+s13+$0x0], $0xffff  }
0x254: {  	vm1 =	vgt.f32 v21, v16;
	v21 =	vsel vm0, v4, v3;
	v26 =	vor.u32 v13, v26;
	v24 =	vld.idx.msk [tilespmem:v24+s13+$0x0], $0xffff  }
0x255: {  	v28 =	vshll.u32 v28, $0x4;
	v14 =	vmul.f32 $1.000000000e+01, v14;
	v16 =	vld.idx.msk [tilespmem:v29+s13+$0x0], $0xffff;
	v29 =	vadd.s32 v22, v31  }
0x256: {  	v18 =	vadd.s32 v18, v21;
	v23 =	vmul.f32 $1.000000000e+01, v23;
	v22 =	vsel vm1, v4, v3;
	[tilespmem:v15+s15+$0x0] =	vst.idx.add.f32.msk $0xffff, v5  }
0x257: {  	v15 =	vtrunc.f32 v14;
	v27 =	vmul.f32 $1.000000000e+01, v27;
	v28 =	vadd.s32 v28, v22;
	[tilespmem:v17+s15+$0x0] =	vst.idx.add.f32.msk $0xffff, v5  }
0x258: {  	v17 =	vtrunc.f32 v23;
	v30 =	vcvt.f32.s32 v15;
	vm0 =	vgt.f32 v14, v15;
	[tilespmem:v20+s15+$0x0] =	vst.idx.add.f32.msk $0xffff, v5  }
0x259: {  	v14 =	vsel vm0, v4, v3;
	v20 =	vtrunc.f32 v27;
	v22 =	vld.idx.msk [tilespmem:v26+s13+$0x0], $0xffff  }
0x25a: {  	v15 =	vcvt.f32.s32 v17;
	vm0 =	vgt.f32 v23, v17;
	v23 =	vmul.f32 $1.000000000e+01, v19;
	[tilespmem:v29+s15+$0x0] =	vst.idx.add.f32.msk $0xffff, v5  }
.Ltmp8:
0x25b: {  	v17 =	vsel vm0, v4, v3;
	v24 =	vmul.f32 $1.000000000e+01, v24;
	v19 =	vshll.u32 v30, $0x4;
	v21 =	vld.idx.msk [tilespmem:v25+s13+$0x0], $0xffff;
	(pc) =	sbr.rel @p0 .LBB2_20-.Ltmp8, $4  }
0x25c: {  	v19 =	vadd.s32 v19, v14;
	v25 =	vshll.u32 v15, $0x4;
	v15 =	vcvt.f32.s32 v20;
	[tilespmem:v28+s15+$0x0] =	vst.idx.add.f32.msk $0xffff, v5  }
0x25d: {  	vm0 =	vgt.f32 v27, v20;
	v14 =	vadd.s32 v25, v17;
	v17 =	vtrunc.f32 v24;
	[tilespmem:v18+s15+$0x0] =	vst.idx.add.f32.msk $0xffff, v5  }
0x25e: {  	v20 =	vcvt.f32.s32 v17;
	vm1 =	vgt.f32 v24, v17;
	v24 =	vtrunc.f32 v23  }
0x25f: {  	v18 =	vsel vm0, v4, v3;
	v17 =	vcvt.f32.s32 v24;
	vm0 =	vgt.f32 v23, v24  }
0x260: {  	v13 =	vmul.f32 $1.000000000e+01, v22  }
0x261: {  	v15 =	vshll.u32 v15, $0x4;
	v59 =	vsel vm1, v4, v3;
	v16 =	vmul.f32 $1.000000000e+01, v16  }
0x262: {  	v20 =	vshll.u32 v20, $0x4;
	v60 =	vsel vm0, v4, v3;
	v15 =	vadd.s32 v15, v18  }
0x263: {  	v17 =	vshll.u32 v17, $0x4;
	v18 =	vtrunc.f32 v13;
	v62 =	vtrunc.f32 v16  }
0x264: {  	vm9 =	vgt.f32 v13, v18;
	v13 =	vcvt.f32.s32 v18;
	v18 =	vmul.f32 $1.000000000e+01, v21  }
0x265: {  	v20 =	vadd.s32 v20, v59;
	v17 =	vadd.s32 v17, v60;
	vm11 =	vgt.f32 v16, v62  }
0x266: {  	v16 =	vcvt.f32.s32 v62;
	v63 =	vsel vm9, v4, v3;
	v61 =	vtrunc.f32 v18  }
0x267: {  	v13 =	vshll.u32 v13, $0x4;
	vm10 =	vgt.f32 v18, v61;
	v18 =	vcvt.f32.s32 v61  }
0x268: {  	[tilespmem:v14+s15+$0x0] =	vst.idx.add.f32.msk $0xffff, v5;
	v14 =	vshll.u32 v16, $0x4;
	v16 =	vsel vm11, v4, v3;
	v13 =	vadd.s32 v13, v63  }
0x269: {  	[tilespmem:v19+s15+$0x0] =	vst.idx.add.f32.msk $0xffff, v5;
	v14 =	vadd.s32 v14, v16;
	v19 =	vsel vm10, v4, v3;
	v18 =	vshll.u32 v18, $0x4  }
0x26a: {  	[tilespmem:v15+s15+$0x0] =	vst.idx.add.f32.msk $0xffff, v5;
	v18 =	vadd.s32 v18, v19  }
0x26b: {  	v12 =	vor.u32 v8, v12;
	[tilespmem:v20+s15+$0x0] =	vst.idx.add.f32.msk $0xffff, v5  }
0x26c: {  	[tilespmem:v17+s15+$0x0] =	vst.idx.add.f32.msk $0xffff, v5  }
0x26d: {  	[tilespmem:v13+s15+$0x0] =	vst.idx.add.f32.msk $0xffff, v5  }
0x26e: {  	[tilespmem:v14+s15+$0x0] =	vst.idx.add.f32.msk $0xffff, v5  }
0x26f: {  	[tilespmem:v18+s15+$0x0] =	vst.idx.add.f32.msk $0xffff, v5  }
0x270: {  	v12 =	vld.idx.msk [tilespmem:v12+s13+$0x0], $0xffff;
	_ =	sdelay $0x4  }
0x271: {  	v12 =	vmul.f32 $1.000000000e+01, v12;
	_ =	sdelay $0x1  }
0x272: {  	v13 =	vtrunc.f32 v12  }
0x273: {  	v14 =	vcvt.f32.s32 v13  }
0x274: {  	vm12 =	vgt.f32 v12, v13  }
0x275: {  	v13 =	vsel vm12, v4, v3;
	v12 =	vshll.u32 v14, $0x4  }
0x276: {  	v12 =	vadd.s32 v12, v13;
	_ =	sdelay $0x3  }
0x277: {  	s0 =	simm.s32 $0xB9  }
0x278: {  	s1 =	simm.s32 $0xBC;
	[tilespmem:v12+s15+$0x0] =	vst.idx.add.f32.msk $0xffff, v5;
	v12 =	vadd.s32 s0, v0  }
0x279: {  	s31 =	simm.s32 $0xBD;
	v15 =	vadd.s32 s1, v0;
	v13 =	vadd.s32 s0, v9;
	vm13 =	vgt.u32 v12, $0xC7  }
0x27a: {  	vm15 =	vgt.u32 v15, $0xC7;
	v12 =	vsel vm13, v13, v12;
	v13 =	vadd.s32 s31, v0  }
0x27b: {  	v14 =	vadd.s32 s31, v9;
	vm14 =	vgt.u32 v13, $0xC7;
	v16 =	vshll.u32 v12, $0x3  }
0x27c: {  	v13 =	vsel vm14, v14, v13;
	v14 =	vadd.s32 s1, v9;
	v16 =	vand.u32 $0xFFFFFC00, v16  }
0x27d: {  	v12 =	vand.u32 $0x7F, v12;
	v14 =	vsel vm15, v14, v15;
	v16 =	vadd.s32 v11, v16  }
0x27e: {  	v15 =	vshll.u32 v13, $0x3;
	v17 =	vand.u32 $0x7F, v13;
	v13 =	vor.u32 v12, v16  }
0x27f: {  	s0 =	simm.s32 $0xBB;
	v15 =	vand.u32 $0xFFFFFC00, v15  }
0x280: {  	v18 =	vshll.u32 v14, $0x3;
	v16 =	vadd.s32 s0, v0;
	v15 =	vadd.s32 v11, v15  }
0x281: {  	s28 =	simm.s32 $0xBE;
	s1 =	simm.s32 $0xBA;
	v14 =	vand.u32 $0x7F, v14;
	v12 =	vor.u32 v17, v15;
	v15 =	vand.u32 $0xFFFFFC00, v18  }
.LBB2_22:
0x282: {  	p0 =	slt.u32 s28, $0xC3;
	v17 =	vadd.s32 s1, v0;
	vm0 =	vgt.u32 v16, $0xC7;
	v18 =	vadd.s32 s0, v9  }
0x283: {  	v19 =	vadd.s32 s1, v9;
	v13 =	vld.idx.msk [tilespmem:v13+s13+$0x0], $0xffff;
	vm1 =	vgt.u32 v17, $0xC7;
	v16 =	vsel vm0, v18, v16  }
0x284: {  	v15 =	vadd.s32 v11, v15;
	v17 =	vsel vm1, v19, v17;
	v18 =	vshll.u32 v16, $0x3  }
0x285: {  	v14 =	vor.u32 v14, v15;
	v19 =	vshll.u32 v17, $0x3;
	v18 =	vand.u32 $0xFFFFFC00, v18  }
0x286: {  	v16 =	vand.u32 $0x7F, v16;
	v15 =	vand.u32 $0xFFFFFC00, v19;
	v18 =	vadd.s32 v11, v18  }
0x287: {  	v17 =	vand.u32 $0x7F, v17;
	v15 =	vadd.s32 v11, v15;
	v16 =	vor.u32 v16, v18;
	v12 =	vld.idx.msk [tilespmem:v12+s13+$0x0], $0xffff  }
0x288: {  	v15 =	vor.u32 v17, v15  }
0x289: {  	v17 =	vadd.s32 s28, v0;
	v13 =	vmul.f32 $1.000000000e+01, v13  }
0x28a: {  	v18 =	vadd.s32 s28, v9;
	vm0 =	vgt.u32 v17, $0xC7;
	v14 =	vld.idx.msk [tilespmem:v14+s13+$0x0], $0xffff  }
0x28b: {  	v17 =	vsel vm0, v18, v17;
	v18 =	vtrunc.f32 v13  }
0x28c: {  	v19 =	vand.u32 $0x7F, v17;
	v20 =	vcvt.f32.s32 v18;
	v16 =	vld.idx.msk [tilespmem:v16+s13+$0x0], $0xffff  }
0x28d: {  	v17 =	vshll.u32 v17, $0x3;
	vm0 =	vgt.f32 v13, v18;
	v12 =	vmul.f32 $1.000000000e+01, v12;
	v13 =	vld.idx.msk [tilespmem:v15+s13+$0x0], $0xffff  }
0x28e: {  	s0 =	sadd.s32 $0x4, s28;
	v18 =	vsel vm0, v4, v3;
	v15 =	vand.u32 $0xFFFFFC00, v17;
	v17 =	vshll.u32 v20, $0x4  }
0x28f: {  	v20 =	vadd.s32 s0, v0;
	v17 =	vadd.s32 v17, v18;
	v18 =	vtrunc.f32 v12  }
0x290: {  	v14 =	vmul.f32 $1.000000000e+01, v14;
	v21 =	vcvt.f32.s32 v18;
	vm1 =	vgt.f32 v12, v18  }
0x291: {  	vm0 =	vgt.u32 v20, $0xC7;
	v12 =	vadd.s32 s0, v9;
	v18 =	vsel vm1, v4, v3  }
0x292: {  	v16 =	vmul.f32 $1.000000000e+01, v16;
	v22 =	vtrunc.f32 v14;
	v21 =	vshll.u32 v21, $0x4  }
0x293: {  	v13 =	vmul.f32 $1.000000000e+01, v13;
	v23 =	vcvt.f32.s32 v22;
	vm1 =	vgt.f32 v14, v22  }
0x294: {  	v18 =	vadd.s32 v21, v18;
	v14 =	vtrunc.f32 v16;
	v22 =	vsel vm1, v4, v3  }
0x295: {  	v21 =	vtrunc.f32 v13;
	v24 =	vcvt.f32.s32 v14;
	v23 =	vshll.u32 v23, $0x4  }
0x296: {  	vm1 =	vgt.f32 v16, v14;
	v25 =	vcvt.f32.s32 v21;
	v14 =	vadd.s32 v23, v22  }
0x297: {  	vm2 =	vgt.f32 v13, v21;
	v16 =	vsel vm1, v4, v3;
	v13 =	vshll.u32 v24, $0x4  }
0x298: {  	v22 =	vsel vm2, v4, v3;
	v21 =	vshll.u32 v25, $0x4;
	v16 =	vadd.s32 v13, v16  }
0x299: {  	s0 =	sadd.s32 $0x3, s28;
	v12 =	vsel vm0, v12, v20;
	v13 =	vadd.s32 v11, v15;
	v20 =	vadd.s32 v21, v22  }
.Ltmp9:
0x29a: {  	v15 =	vadd.s32 s0, v0;
	v13 =	vor.u32 v19, v13;
	v19 =	vshll.u32 v12, $0x3;
	[tilespmem:v17+s15+$0x0] =	vst.idx.add.f32.msk $0xffff, v5;
	(pc) =	sbr.rel @p0 .LBB2_22-.Ltmp9, $4  }
0x29b: {  	vm0 =	vgt.u32 v15, $0xC7;
	v19 =	vand.u32 $0xFFFFFC00, v19;
	v17 =	vadd.s32 s0, v9;
	[tilespmem:v18+s15+$0x0] =	vst.idx.add.f32.msk $0xffff, v5  }
0x29c: {  	v12 =	vand.u32 $0x7F, v12;
	v15 =	vsel vm0, v17, v15;
	v17 =	vadd.s32 v11, v19;
	[tilespmem:v14+s15+$0x0] =	vst.idx.add.f32.msk $0xffff, v5  }
0x29d: {  	s0 =	sadd.s32 $0x2, s28;
	v18 =	vshll.u32 v15, $0x3;
	v12 =	vor.u32 v12, v17;
	[tilespmem:v16+s15+$0x0] =	vst.idx.add.f32.msk $0xffff, v5  }
0x29e: {  	s1 =	sadd.s32 $0x1, s28;
	s28 =	sadd.s32 $0x5, s28;
	v14 =	vand.u32 $0x7F, v15;
	v16 =	vadd.s32 s0, v0;
	v15 =	vand.u32 $0xFFFFFC00, v18;
	[tilespmem:v20+s15+$0x0] =	vst.idx.add.f32.msk $0xffff, v5  }
0x29f: {  	_ =	sdelay $0x1  }
0x2a0: {  	v17 =	vadd.s32 s1, v0;
	vm0 =	vgt.u32 v16, $0xC7;
	v18 =	vadd.s32 s0, v9  }
0x2a1: {  	v19 =	vadd.s32 s1, v9;
	vm1 =	vgt.u32 v17, $0xC7;
	v16 =	vsel vm0, v18, v16  }
0x2a2: {  	v13 =	vld.idx.msk [tilespmem:v13+s13+$0x0], $0xffff;
	v15 =	vadd.s32 v11, v15;
	v17 =	vsel vm1, v19, v17;
	v18 =	vshll.u32 v16, $0x3  }
0x2a3: {  	v14 =	vor.u32 v14, v15;
	v19 =	vshll.u32 v17, $0x3;
	v18 =	vand.u32 $0xFFFFFC00, v18  }
0x2a4: {  	v16 =	vand.u32 $0x7F, v16;
	v15 =	vand.u32 $0xFFFFFC00, v19;
	v18 =	vadd.s32 v11, v18  }
0x2a5: {  	v12 =	vld.idx.msk [tilespmem:v12+s13+$0x0], $0xffff;
	v17 =	vand.u32 $0x7F, v17;
	v11 =	vadd.s32 v11, v15;
	v15 =	vor.u32 v16, v18  }
0x2a6: {  	v11 =	vor.u32 v17, v11  }
0x2a7: {  	v13 =	vmul.f32 $1.000000000e+01, v13  }
0x2a8: {  	v14 =	vld.idx.msk [tilespmem:v14+s13+$0x0], $0xffff  }
0x2a9: {  	v16 =	vtrunc.f32 v13  }
0x2aa: {  	v12 =	vmul.f32 $1.000000000e+01, v12;
	v17 =	vcvt.f32.s32 v16;
	v15 =	vld.idx.msk [tilespmem:v15+s13+$0x0], $0xffff  }
0x2ab: {  	vm11 =	vgt.f32 v13, v16;
	v11 =	vld.idx.msk [tilespmem:v11+s13+$0x0], $0xffff  }
0x2ac: {  	v16 =	vsel vm11, v4, v3;
	v13 =	vshll.u32 v17, $0x4;
	v17 =	vtrunc.f32 v12  }
0x2ad: {  	v14 =	vmul.f32 $1.000000000e+01, v14;
	v18 =	vcvt.f32.s32 v17;
	vm12 =	vgt.f32 v12, v17  }
0x2ae: {  	v12 =	vadd.s32 v13, v16;
	v13 =	vsel vm12, v4, v3  }
0x2af: {  	v16 =	vtrunc.f32 v14;
	v17 =	vshll.u32 v18, $0x4;
	v15 =	vmul.f32 $1.000000000e+01, v15  }
0x2b0: {  	v18 =	vcvt.f32.s32 v16;
	vm13 =	vgt.f32 v14, v16;
	v11 =	vmul.f32 $1.000000000e+01, v11  }
0x2b1: {  	v13 =	vadd.s32 v17, v13;
	v16 =	vsel vm13, v4, v3;
	v14 =	vtrunc.f32 v15  }
0x2b2: {  	v18 =	vshll.u32 v18, $0x4;
	v17 =	vtrunc.f32 v11;
	v19 =	vcvt.f32.s32 v14  }
0x2b3: {  	vm14 =	vgt.f32 v15, v14;
	v14 =	vadd.s32 v18, v16;
	v20 =	vcvt.f32.s32 v17  }
0x2b4: {  	vm15 =	vgt.f32 v11, v17;
	v15 =	vsel vm14, v4, v3;
	v11 =	vshll.u32 v19, $0x4  }
0x2b5: {  	v17 =	vsel vm15, v4, v3;
	v16 =	vshll.u32 v20, $0x4;
	v11 =	vadd.s32 v11, v15  }
0x2b6: {  	v15 =	vadd.s32 v16, v17  }
0x2b7: {  	[tilespmem:v12+s15+$0x0] =	vst.idx.add.f32.msk $0xffff, v5  }
0x2b8: {  	[tilespmem:v13+s15+$0x0] =	vst.idx.add.f32.msk $0xffff, v5  }
0x2b9: {  	[tilespmem:v14+s15+$0x0] =	vst.idx.add.f32.msk $0xffff, v5  }
0x2ba: {  	[tilespmem:v11+s15+$0x0] =	vst.idx.add.f32.msk $0xffff, v5  }
0x2bb: {  	s4 =	simm.s32 $0xC010;
	[tilespmem:v15+s15+$0x0] =	vst.idx.add.f32.msk $0xffff, v5  }
0x2bc: {  	v11 =	vld [tilespmem:s4+$0x0];
	_ =	sdelay $0x3  }
0x2bd: {  	v12 =	vld [tilespmem:s4+$0xFFFFFFF0]  }
0x2be: {  	v11 =	vtrunc.f32 v11  }
0x2bf: {  	s9 =	simm.s32 $0x4;
	v11 =	vcvt.f32.s32 v11  }
0x2c0: {  	s5 =	simm.s32 $0x400;
	v14 =	vmov s9  }
0x2c1: {  	v10 =	vshll.u32 v10, $0x7;
	s9 =	simm.s32 $0x1;
	v14 =	vand.u32 $0x7C, v14;
	v13 =	vadd.s32 s5, v11  }
0x2c2: {  	s2 =	simm.s32 $0x0;
	v18 =	vmov s9;
	v14 =	vbroadcast v14, $0x0;
	s4 =	simm.s32 $0xC030;
	v12 =	vtrunc.f32 v12  }
0x2c3: {  	v18 =	vand.u32 $0x79, v18;
	v15 =	vmov s2;
	s2 =	simm.s32 $0x5;
	v19 =	vld [tilespmem:s4+$0x0];
	v12 =	vcvt.f32.s32 v12  }
0x2c4: {  	s12 =	simm.s32 $0x0;
	v18 =	vbroadcast v18, $0x0;
	v14 =	vor.u32 v10, v14;
	v24 =	vmov s2;
	s2 =	simm.s32 $0x6  }
0x2c5: {  	s19 =	simm.s32 $0x100;
	v15 =	vand.u32 $0x78, v15;
	v26 =	vmov s2;
	v16 =	vadd.s32 s12, v12  }
0x2c6: {  	v15 =	vbroadcast v15, $0x0;
	v26 =	vand.u32 $0x7E, v26;
	v17 =	vadd.s32 s19, v12;
	s12 =	simm.s32 $0x2;
	s19 =	simm.s32 $0x500;
	v13 =	vld.idx.msk [tilespmem:v13+s11+$0x0], $0xffff  }
0x2c7: {  	v21 =	vld [tilespmem:s4+$0xFFFFFFF0];
	s4 =	simm.s32 $0x300;
	v26 =	vbroadcast v26, $0x0;
	v22 =	vmov s12;
	v23 =	vadd.s32 s19, v11  }
0x2c8: {  	v19 =	vtrunc.f32 v19;
	s5 =	simm.s32 $0x200;
	v25 =	vadd.s32 s4, v12;
	v22 =	vand.u32 $0x7A, v22  }
0x2c9: {  	v20 =	vadd.s32 s5, v12;
	v12 =	vbroadcast v22, $0x0;
	v22 =	vand.u32 $0x7D, v24  }
0x2ca: {  	v15 =	vor.u32 v10, v15;
	v29 =	vcvt.f32.s32 v19;
	s4 =	simm.s32 $0x8;
	v22 =	vbroadcast v22, $0x0;
	v16 =	vld.idx.msk [tilespmem:v16+s11+$0x0], $0xffff  }
0x2cb: {  	v18 =	vor.u32 v10, v18;
	v26 =	vor.u32 v10, v26;
	s12 =	simm.s32 $0xC00;
	v27 =	vmov s4;
	[tilespmem:v14+s18+$0x0] =	vst.idx.msk $0xffff, v13  }
0x2cc: {  	s9 =	simm.s32 $0x600;
	s5 =	simm.s32 $0x3;
	v13 =	vtrunc.f32 v21;
	v21 =	vor.u32 v10, v22;
	v19 =	vld.idx.msk [tilespmem:v23+s11+$0x0], $0xffff;
	v23 =	vadd.s32 s12, v29  }
0x2cd: {  	v24 =	vmov s5;
	s5 =	simm.s32 $0xC;
	v22 =	vor.u32 v10, v12;
	v12 =	vadd.s32 s9, v11  }
0x2ce: {  	s0 =	simm.s32 $0x700;
	v28 =	vmov s5;
	v14 =	vand.u32 $0x7B, v24;
	v13 =	vcvt.f32.s32 v13  }
0x2cf: {  	s19 =	simm.s32 $0x800;
	s5 =	simm.s32 $0xA;
	[tilespmem:v15+s18+$0x0] =	vst.idx.msk $0xffff, v16;
	v15 =	vand.u32 $0x78, v27;
	v16 =	vand.u32 $0x7C, v28;
	v28 =	vadd.s32 s0, v11  }
0x2d0: {  	s9 =	simm.s32 $0x9;
	v11 =	vmov s5;
	v17 =	vld.idx.msk [tilespmem:v17+s11+$0x0], $0xffff;
	v16 =	vbroadcast v16, $0x0;
	v24 =	vadd.s32 s19, v13  }
0x2d1: {  	v14 =	vbroadcast v14, $0x0;
	v15 =	vbroadcast v15, $0x0;
	[tilespmem:v21+s18+$0x0] =	vst.idx.msk $0xffff, v19;
	v19 =	vmov s9;
	v23 =	vld.idx.msk [tilespmem:v23+s11+$0x0], $0xffff  }
0x2d2: {  	s12 =	simm.s32 $0x900;
	v33 =	vand.u32 $0x7A, v11;
	s19 =	simm.s32 $0xA00;
	v16 =	vor.u32 v10, v16;
	s9 =	simm.s32 $0xC050;
	v27 =	vld.idx.msk [tilespmem:v12+s11+$0x0], $0xffff;
	v19 =	vand.u32 $0x79, v19  }
0x2d3: {  	v21 =	vadd.s32 s12, v13;
	s12 =	simm.s32 $0xB00;
	v12 =	vadd.s32 s19, v13;
	s19 =	simm.s32 $0xD00;
	v30 =	vld [tilespmem:s9+$0x0];
	v19 =	vbroadcast v19, $0x0  }
0x2d4: {  	s28 =	simm.s32 $0x7;
	s2 =	simm.s32 $0xD;
	v15 =	vor.u32 v10, v15;
	v32 =	vld [tilespmem:s9+$0xFFFFFFF0];
	v11 =	vadd.s32 s12, v13;
	v31 =	vadd.s32 s19, v29  }
0x2d5: {  	v13 =	vmov s28;
	v24 =	vld.idx.msk [tilespmem:v24+s11+$0x0], $0xffff;
	v34 =	vor.u32 v10, v19;
	v19 =	vmov s2  }
0x2d6: {  	s4 =	simm.s32 $0xB;
	v33 =	vbroadcast v33, $0x0;
	[tilespmem:v18+s18+$0x0] =	vst.idx.msk $0xffff, v17;
	v13 =	vand.u32 $0x7F, v13;
	v19 =	vand.u32 $0x7D, v19  }
0x2d7: {  	v18 =	vmov s4;
	v20 =	vld.idx.msk [tilespmem:v20+s11+$0x0], $0xffff;
	v17 =	vbroadcast v13, $0x0;
	v19 =	vbroadcast v19, $0x0  }
0x2d8: {  	v13 =	vor.u32 v10, v14;
	[tilespmem:v16+s18+$0x0] =	vst.idx.msk $0xffff, v23;
	v16 =	vand.u32 $0x7B, v18;
	v14 =	vtrunc.f32 v30  }
0x2d9: {  	s5 =	simm.s32 $0xE00;
	[tilespmem:v26+s18+$0x0] =	vst.idx.msk $0xffff, v27;
	v18 =	vtrunc.f32 v32;
	v23 =	vld.idx.msk [tilespmem:v31+s11+$0x0], $0xffff;
	v14 =	vcvt.f32.s32 v14;
	v26 =	vor.u32 v10, v19  }
0x2da: {  	s9 =	simm.s32 $0x1400;
	v27 =	vld.idx.msk [tilespmem:v28+s11+$0x0], $0xffff;
	[tilespmem:v15+s18+$0x0] =	vst.idx.msk $0xffff, v24;
	v24 =	vor.u32 v10, v17;
	v17 =	vcvt.f32.s32 v18;
	v28 =	vadd.s32 s5, v29  }
0x2db: {  	s4 =	simm.s32 $0xE;
	s12 =	simm.s32 $0x1000;
	v16 =	vbroadcast v16, $0x0;
	v15 =	vor.u32 v10, v33;
	s5 =	simm.s32 $0x10;
	v21 =	vld.idx.msk [tilespmem:v21+s11+$0x0], $0xffff;
	v30 =	vadd.s32 s9, v14  }
0x2dc: {  	s19 =	simm.s32 $0x1100;
	[tilespmem:v22+s18+$0x0] =	vst.idx.msk $0xffff, v20;
	v19 =	vmov s4;
	v20 =	vmov s5;
	v31 =	vadd.s32 s12, v17;
	s9 =	simm.s32 $0x14  }
0x2dd: {  	s1 =	simm.s32 $0xF00;
	v18 =	vadd.s32 s19, v17;
	v63 =	vand.u32 $0x7E, v19;
	v19 =	vld.idx.msk [tilespmem:v25+s11+$0x0], $0xffff;
	v22 =	vmov s9  }
0x2de: {  	s29 =	simm.s32 $0xF;
	s31 =	simm.s32 $0x4;
	s12 =	simm.s32 $0x11;
	v20 =	vand.u32 $0x78, v20;
	v22 =	vand.u32 $0x7C, v22;
	[tilespmem:v26+s18+$0x0] =	vst.idx.msk $0xffff, v23;
	v26 =	vbroadcast v63, $0x0  }
0x2df: {  	s30 =	simm.s32 $0x1700;
	s0 =	simm.s32 $0x13;
	s19 =	simm.s32 $0x1200;
	[tilespmem:v24+s18+$0x0] =	vst.idx.msk $0xffff, v27;
	v27 =	vbroadcast v20, $0x0;
	v22 =	vbroadcast v22, $0x0;
	v23 =	vmov s12;
	v20 =	vld.idx.msk [tilespmem:v28+s11+$0x0], $0xffff  }
0x2e0: {  	s28 =	simm.s32 $0x17;
	s2 =	simm.s32 $0xC070;
	s5 =	simm.s32 $0x12;
	[tilespmem:v34+s18+$0x0] =	vst.idx.msk $0xffff, v21;
	v28 =	vand.u32 $0x79, v23;
	v23 =	vadd.s32 s19, v17;
	v25 =	vld.idx.msk [tilespmem:v30+s11+$0x0], $0xffff;
	v21 =	vor.u32 v10, v26  }
0x2e1: {  	s4 =	simm.s32 $0x1300;
	s9 =	simm.s32 $0x1500;
	v24 =	vld.idx.msk [tilespmem:v31+s11+$0x0], $0xffff;
	v26 =	vor.u32 v10, v27;
	v27 =	vor.u32 v10, v22;
	v22 =	vadd.s32 s1, v29;
	s1 =	simm.s32 $0x1700  }
.LBB2_24:
0x2e2: {  	v29 =	vld [tilespmem:s2+$0x0];
	s31 =	sadd.s32 $0x2, s31;
	v28 =	vbroadcast v28, $0x0;
	v30 =	vmov s5;
	v31 =	vadd.s32 s9, v14;
	[tilespmem:v13+s18+$0x0] =	vst.idx.msk $0xffff, v19  }
0x2e3: {  	v19 =	vld [tilespmem:s2+$0xFFFFFFF0];
	p0 =	slt.u32 s31, $0x14;
	v13 =	vand.u32 $0x7A, v30;
	v30 =	vadd.s32 s4, v17;
	s4 =	sadd.s32 $0xFFFFFFFE, s28;
	v17 =	vmov s29;
	s29 =	smov.u32 s28  }
0x2e4: {  	v28 =	vor.u32 v10, v28;
	v32 =	vmov s4;
	v33 =	vld.idx.msk [tilespmem:v12+s11+$0x0], $0xffff;
	v17 =	vand.u32 $0x7F, v17;
	v12 =	vmovc v23  }
0x2e5: {  	v23 =	vbroadcast v13, $0x0;
	v13 =	vand.u32 $0x7D, v32;
	[tilespmem:v21+s18+$0x0] =	vst.idx.msk $0xffff, v20;
	v17 =	vbroadcast v17, $0x0  }
0x2e6: {  	v20 =	vmov s0;
	[tilespmem:v27+s18+$0x0] =	vst.idx.msk $0xffff, v25;
	v21 =	vbroadcast v13, $0x0;
	v13 =	vor.u32 v10, v16;
	v22 =	vld.idx.msk [tilespmem:v22+s11+$0x0], $0xffff  }
0x2e7: {  	s1 =	sadd.s32 $0x800, s1;
	v20 =	vand.u32 $0x7B, v20;
	v16 =	vtrunc.f32 v29;
	[tilespmem:v26+s18+$0x0] =	vst.idx.msk $0xffff, v24;
	v24 =	vld.idx.msk [tilespmem:v31+s11+$0x0], $0xffff;
	v25 =	vor.u32 v10, v17  }
0x2e8: {  	s5 =	sadd.s32 $0xFFFFFA00, s1;
	s0 =	sadd.s32 $0xFFFFFF00, s30;
	v17 =	vtrunc.f32 v19;
	v29 =	vcvt.f32.s32 v16;
	v26 =	vld.idx.msk [tilespmem:v18+s11+$0x0], $0xffff;
	v21 =	vor.u32 v10, v21  }
0x2e9: {  	s9 =	sadd.s32 $0xFFFFFD00, s1;
	s28 =	sadd.s32 $0x8, s28;
	s4 =	sadd.s32 $0xFFFFF900, s1;
	v18 =	vor.u32 v10, v23;
	v23 =	vadd.s32 s0, v14;
	v17 =	vcvt.f32.s32 v17  }
0x2ea: {  	s12 =	sadd.s32 $0xFFFFFB00, s1;
	s19 =	sadd.s32 $0xFFFFFFFD, s28;
	v16 =	vbroadcast v20, $0x0;
	s0 =	sadd.s32 $0xFFFFFFFF, s29;
	v27 =	vadd.s32 s9, v29;
	[tilespmem:v15+s18+$0x0] =	vst.idx.msk $0xffff, v33;
	v15 =	vmov v18  }
0x2eb: {  	v20 =	vmov s0;
	s0 =	sadd.s32 $0xFFFFFFFC, s28;
	s9 =	sadd.s32 $0xFFFFFFFA, s28;
	v31 =	vadd.s32 s4, v17;
	s4 =	sadd.s32 $0xFFFFFFF9, s28;
	v18 =	vadd.s32 s5, v17;
	v19 =	vld.idx.msk [tilespmem:v11+s11+$0x0], $0xffff;
	v11 =	vmovc v30  }
.Ltmp10:
0x2ec: {  	v32 =	vmov s19;
	v20 =	vand.u32 $0x7E, v20;
	s5 =	sadd.s32 $0xFFFFFFFB, s28;
	v30 =	vmov s4;
	s4 =	sadd.s32 $0xFFFFFC00, s1;
	[tilespmem:v25+s18+$0x0] =	vst.idx.msk $0xffff, v22;
	(pc) =	sbr.rel @p0 .LBB2_24-.Ltmp10, $4  }
0x2ed: {  	v25 =	vand.u32 $0x7C, v32;
	v22 =	vand.u32 $0x78, v30;
	[tilespmem:v21+s18+$0x0] =	vst.idx.msk $0xffff, v24;
	v21 =	vbroadcast v20, $0x0  }
0x2ee: {  	v24 =	vmov s9;
	v30 =	vbroadcast v25, $0x0;
	v22 =	vbroadcast v22, $0x0;
	[tilespmem:v28+s18+$0x0] =	vst.idx.msk $0xffff, v26;
	v20 =	vld.idx.msk [tilespmem:v23+s11+$0x0], $0xffff  }
0x2ef: {  	v28 =	vand.u32 $0x79, v24;
	v23 =	vadd.s32 s12, v17;
	v25 =	vld.idx.msk [tilespmem:v27+s11+$0x0], $0xffff;
	v21 =	vor.u32 v10, v21  }
0x2f0: {  	s2 =	sadd.s32 $0x20, s2;
	s9 =	sadd.s32 $0xFFFFFE00, s1;
	v27 =	vor.u32 v10, v30;
	v24 =	vld.idx.msk [tilespmem:v31+s11+$0x0], $0xffff;
	v26 =	vor.u32 v10, v22;
	v22 =	vadd.s32 s30, v14;
	v14 =	vmovc v29;
	s30 =	smov.u32 s1  }
0x2f1: {  	v29 =	vadd.s32 s9, v14;
	s1 =	sadd.s32 $0xFFFFFFFE, s28  }
0x2f2: {  	v30 =	vmov s1  }
0x2f3: {  	v30 =	vand.u32 $0x7D, v30  }
0x2f4: {  	v30 =	vbroadcast v30, $0x0  }
0x2f5: {  	v28 =	vbroadcast v28, $0x0;
	[tilespmem:v27+s18+$0x0] =	vst.idx.msk $0xffff, v25  }
0x2f6: {  	s19 =	sadd.s32 $0xFFFFFF00, s30;
	[tilespmem:v26+s18+$0x0] =	vst.idx.msk $0xffff, v24;
	v46 =	vld.idx.msk [tilespmem:v29+s11+$0x0], $0xffff;
	v47 =	vor.u32 v10, v30  }
0x2f7: {  	s31 =	sadd.s32 $0xFFFFFFFF, s28;
	v49 =	vadd.s32 s19, v14;
	v48 =	vor.u32 v10, v28;
	v18 =	vld.idx.msk [tilespmem:v18+s11+$0x0], $0xffff  }
0x2f8: {  	v50 =	vmov s31  }
0x2f9: {  	v51 =	vmov s5;
	v28 =	vand.u32 $0x7E, v50  }
0x2fa: {  	v12 =	vld.idx.msk [tilespmem:v12+s11+$0x0], $0xffff;
	v28 =	vbroadcast v28, $0x0;
	v29 =	vand.u32 $0x7A, v51  }
0x2fb: {  	v29 =	vbroadcast v29, $0x0;
	[tilespmem:v47+s18+$0x0] =	vst.idx.msk $0xffff, v46  }
0x2fc: {  	v54 =	vor.u32 v10, v28;
	[tilespmem:v48+s18+$0x0] =	vst.idx.msk $0xffff, v18;
	v53 =	vld.idx.msk [tilespmem:v49+s11+$0x0], $0xffff  }
0x2fd: {  	v52 =	vmov s29;
	v56 =	vadd.s32 s30, v14;
	v55 =	vor.u32 v10, v29;
	v23 =	vld.idx.msk [tilespmem:v23+s11+$0x0], $0xffff  }
0x2fe: {  	v17 =	vadd.s32 s4, v17;
	v57 =	vmov s28;
	v24 =	vand.u32 $0x7F, v52  }
0x2ff: {  	v58 =	vmov s0;
	v59 =	vand.u32 $0x7F, v57;
	v24 =	vbroadcast v24, $0x0;
	[tilespmem:v15+s18+$0x0] =	vst.idx.msk $0xffff, v12  }
0x300: {  	v61 =	vor.u32 v10, v16;
	[tilespmem:v21+s18+$0x0] =	vst.idx.msk $0xffff, v20;
	v20 =	vand.u32 $0x7B, v58;
	v60 =	vbroadcast v59, $0x0;
	v11 =	vld.idx.msk [tilespmem:v11+s11+$0x0], $0xffff  }
0x301: {  	v22 =	vld.idx.msk [tilespmem:v22+s11+$0x0], $0xffff;
	v62 =	vbroadcast v20, $0x0;
	v24 =	vor.u32 v10, v24;
	[tilespmem:v54+s18+$0x0] =	vst.idx.msk $0xffff, v53  }
0x302: {  	s26 =	sadd.s32 $0x1, s26;
	v12 =	vor.u32 v10, v60;
	[tilespmem:v55+s18+$0x0] =	vst.idx.msk $0xffff, v23;
	v14 =	vld.idx.msk [tilespmem:v56+s11+$0x0], $0xffff  }
0x303: {  	p0 =	sne.s32 s26, $0x4;
	v10 =	vor.u32 v10, v62;
	v63 =	vld.idx.msk [tilespmem:v17+s11+$0x0], $0xffff  }
.Ltmp11:
0x304: {  	[tilespmem:v13+s18+$0x0] =	vst.idx.msk $0xffff, v19;
	(pc) =	sbr.rel @p0 .LBB2_15-.Ltmp11, $4  }
0x305: {  	[tilespmem:v61+s18+$0x0] =	vst.idx.msk $0xffff, v11  }
0x306: {  	[tilespmem:v24+s18+$0x0] =	vst.idx.msk $0xffff, v22  }
0x307: {  	[tilespmem:v12+s18+$0x0] =	vst.idx.msk $0xffff, v14  }
0x308: {  	[tilespmem:v10+s18+$0x0] =	vst.idx.msk $0xffff, v63  }
0x309: {  	s22 =	sadd.s32 $0x1, s22  }
0x30a: {  	p0 =	sne.s32 s22, $0x4  }
.Ltmp12:
0x30b: {  	_ = 	snop;
	(pc) =	sbr.rel @p0 .LBB2_2-.Ltmp12, $4  }
0x30c: {  	s0 =	sadd.s32 @!p1 s23, s8;
	s1 =	simm.s32 @!p1 $0x0;
	s2 =	simm.s32 @!p1 $0x4000  }
0x30d: {  	[tilespmem:s2], [sflag:$0x2] =	stream.linear.gather @!p1 [hbm4b:s0+s1], $0x4000, $0x38;
	[tilespmem:$0x11980] =	vst v63  }
0x30e: {  	s31 =	sadd.s32 s10, s24  }
0x30f: {  	[hbm4b:s31+s3] =	stream.linear.scatter [tilespmem:s18], [sflag:$0x4], $0x2000, $0x38;
	[tilespmem:$0x11980] =	vst v63  }
0x310: {  	s0 =	simm.s32 $0x3  }
0x311: {  	_ =	swait.ge [sflag:s0], $0x2000  }
0x312: {  	[sflag:s0] =	ssyncset.done $0x0  }
0x313: {  	[sflag:s0] =	ssyncadd.s32 $0xFFFFE000  }
0x314: {  	_ =	swait.ge [sflag:s20], $0x2000  }
0x315: {  	s21 =	sadd.s32 $0x1, s21;
	s31 =	rddreg [dreg:$0x5]  }
0x316: {  	p0 =	sne.s32 s21, s31  }
.Ltmp13:
0x317: {  	_ = 	snop;
	(pc) =	sbr.rel @p0 .LBB2_1-.Ltmp13, $3  }
0x318: {  	_ =	sdelay $0x1  }
0x319: {  	[sflag:s20] =	ssyncset.done $0x0  }
0x31a: {  	[sflag:s20] =	ssyncadd.s32 $0xFFFFE000  }
0x31b: {  	_ =	sfence.sel $0x180000  }
0x31c: {  	[bflag:$0x0] =	sbarrier.arrive $0xFFFF  }
0x31d: {  	_ =	strace $0x90000047  }
0x31e: {  	s0 =	stileid.u32;
	[bflag:$0x2] =	sbarrier.arrive $0xFFFF  }
0x31f: {  	p0 =	sne.s32 s0, $0x0;
	s0 =	rddreg [dreg:$0x2]  }
0x320: {  	s0 =	sadd.s32 @!p0 $0x100000, s0  }
0x321: {  	[sflag:s0] =	ssyncadd.tile.s32 @!p0 $0x1;
	_ =	shalt  }
.Lfunc_end2:
_tile_overlayer_lowered:
.L_overlay_start_2:
0x322: {  	(tag) =	ssettag $0x2  }
0x323: {  	s0 =	rddreg [dreg:$0x0];
	s2 =	stileid.u32  }
0x324: {  	s1 =	rddreg [dreg:$0x1];
	p0 =	sne.s32 s2, $0x0  }
0x325: {  	s3 =	rddreg [dreg:$0x2];
	[bflag:$0x3] =	sbarrier.arrive $0xFFFF;
	s2 =	simm.s32 @!p0 $0x1C05  }
0x326: {  	[timem:s3], [sflag:s2] =	dma.local @!p0 [hbm:s0], s1  }
0x327: {  	s0 =	simm.s32 @!p0 $0x5  }
0x328: {  	_ =	swait.ge @!p0 [sflag:s0], s1  }
0x329: {  	s1 =	ssub.s32 @!p0 $0x0, s1;
	[sflag:s0] =	ssyncset.done @!p0 $0x0  }
0x32a: {  	[sflag:s0] =	ssyncadd.s32 @!p0 s1  }
0x32b: {  	[bflag:$0x3] =	sbarrier.arrive $0xFFFF  }
0x32c: {  	_ =	shalt  }

</sc_bundles>
